<compile_context>
chip_gen: v7x
topology: tpu7x:2x2x1
jax: 0.10.2.dev20260603
libtpu: 0.0.44.dev20260713+nightly
codegen_flags: <defaults>
</compile_context>

<pallas_src>
import functools

import jax
import jax.numpy as jnp
from jax import lax
from jax.experimental import pallas as pl
from jax.experimental.pallas import tpu as pltpu
from jax.experimental.pallas import tpu_sc as plsc


def _vq_idx_kernel(x_ref, cb_ref, idx_ref):
    cb = cb_ref[0]
    num_code = cb.shape[0]
    cb_sq = jnp.sum(cb * cb, axis=1, keepdims=True)
    n = pl.program_id(0)
    batch = x_ref.shape[0]
    t = x_ref.shape[3]
    iota_rows = lax.broadcasted_iota(jnp.int32, (num_code, t), 0)
    for b in range(batch):
        xb = x_ref[b, 0]
        dots = lax.dot_general(
            cb, xb, (((1,), (0,)), ((), ())),
            preferred_element_type=jnp.float32)
        score = cb_sq - 2.0 * dots
        minval = jnp.min(score, axis=0)
        cand = jnp.where(score == minval[None, :], iota_rows, num_code)
        idx_ref[0, b] = jnp.min(cand, axis=0) + n * num_code


def _sc_gather_body(nc, ch, niter, table_hbm, idx_hbm, out_hbm,
                    idx_v, rows_v, sem):
    wid = lax.axis_index("s") * nc + lax.axis_index("c")
    base = wid * (ch * niter)

    def body(i, carry):
        off = base + i * ch
        pltpu.sync_copy(idx_hbm.at[pl.ds(off, ch)], idx_v)
        pltpu.async_copy(table_hbm.at[idx_v], rows_v, sem).wait()
        pltpu.sync_copy(rows_v, out_hbm.at[pl.ds(off, ch)])
        return carry

    lax.fori_loop(0, niter, body, 0)


def _tr_kernel(g_ref, out_ref):
    out_ref[0, 0] = g_ref[0, 0].T


def kernel(x, codebook):
    batch, n_band, n_chan, time = x.shape
    num_code = codebook.shape[1]

    idx = pl.pallas_call(
        _vq_idx_kernel,
        grid=(n_band,),
        in_specs=[
            pl.BlockSpec((batch, 1, n_chan, time), lambda n: (0, n, 0, 0)),
            pl.BlockSpec((1, num_code, n_chan), lambda n: (n, 0, 0)),
        ],
        out_specs=pl.BlockSpec((1, batch, time), lambda n: (n, 0, 0)),
        out_shape=jax.ShapeDtypeStruct((n_band, batch, time), jnp.int32),
        compiler_params=pltpu.CompilerParams(
            dimension_semantics=("arbitrary",),
        ),
    )(x, codebook)

    info = plsc.get_sparse_core_info()
    nw = info.num_cores * info.num_subcores
    total = n_band * batch * time
    per_w = total // nw
    ch = 80
    niter = per_w // ch
    assert per_w % ch == 0 and ch % 8 == 0

    table = codebook.reshape(n_band * num_code, n_chan)
    idx_flat = idx.reshape(total)
    mesh = plsc.VectorSubcoreMesh(core_axis_name="c", subcore_axis_name="s")
    gathered = pl.kernel(
        functools.partial(_sc_gather_body, info.num_cores, ch, niter),
        out_type=jax.ShapeDtypeStruct((total, n_chan), jnp.float32),
        mesh=mesh,
        scratch_types=[
            pltpu.VMEM((ch,), jnp.int32),
            pltpu.VMEM((ch, n_chan), jnp.float32),
            pltpu.SemaphoreType.DMA,
        ],
        compiler_params=pltpu.CompilerParams(use_tc_tiling_on_sc=False),
    )(table, idx_flat)

    g = gathered.reshape(n_band, batch, time, n_chan)
    return pl.pallas_call(
        _tr_kernel,
        grid=(n_band, batch),
        in_specs=[
            pl.BlockSpec((1, 1, time, n_chan), lambda n, b: (n, b, 0, 0)),
        ],
        out_specs=pl.BlockSpec((1, 1, n_chan, time), lambda n, b: (b, n, 0, 0)),
        out_shape=jax.ShapeDtypeStruct(x.shape, x.dtype),
        compiler_params=pltpu.CompilerParams(
            dimension_semantics=("arbitrary", "arbitrary"),
        ),
    )(g)

# --- scband reference (transcript-rebuilt; emitter-appended) ---
"""Pipeline reference for scband-quantization-layer-2396591751337 (READ-ONLY COPY).

The authoritative reference and input builder live on the scoring server;
editing this copy changes nothing except your own understanding.
"""

import jax, jax.numpy as jnp
import numpy as np

NBAND = 16
NUM_CODE = 1024
CODE_CHANNELS = 64
EPS = float(np.finfo(np.float32).eps)


def setup_inputs(seed: int = 0) -> dict:
    key = jax.random.key(seed)
    k1, k2 = jax.random.split(key)
    x = jax.random.normal(k1, (16, NBAND, CODE_CHANNELS, 1000), dtype=jnp.float32)
    # layer_idx == 0 codebook init: unit-normalized gaussian rows
    codebook = jax.random.normal(k2, (NBAND, NUM_CODE, CODE_CHANNELS), dtype=jnp.float32)
    codebook = codebook / jnp.sqrt(jnp.sum(codebook ** 2, axis=-1, keepdims=True) + EPS)
    return {"x": x, "codebook": codebook}


def reference(x, codebook):
    batch, n_band, n_chan, time = x.shape
    # x.detach().permute(0,3,1,2).reshape(batch*time, n_band, n_chan)
    x_detach = jnp.transpose(x, (0, 3, 1, 2)).reshape(batch * time, n_band, n_chan)
    # squared euclidean distances to codebook entries, per band
    x_sq = jnp.sum(x_detach ** 2, axis=-1, keepdims=True)              # [BT, nband, 1]
    cb_sq = jnp.sum(codebook ** 2, axis=-1)                             # [nband, num_code]
    dots = jnp.einsum('bnc,nkc->bnk', x_detach, codebook)               # [BT, nband, num_code]
    eq_distance = x_sq + cb_sq[None, :, :] - 2.0 * dots                 # [BT, nband, num_code]
    min_idx = jnp.argmin(eq_distance, axis=-1)                          # [BT, nband]
    # gather nearest code vectors per band
    band_ids = jnp.arange(n_band)[None, :]                              # [1, nband]
    quantized = codebook[band_ids, min_idx]                             # [BT, nband, n_chan]
    quantized = quantized.reshape(batch, time, n_band, n_chan)
    quantized = jnp.transpose(quantized, (0, 2, 3, 1))                  # [batch, nband, nchan, time]
    return quantized

if __name__ == "__main__":
    import jax
    _d = setup_inputs()
    print(jax.jit(kernel)(*tuple(_d.values())))

</pallas_src>

<mosaic_0001>
#map = affine_map<(d0, d1) -> (0, 0)>
#map1 = affine_map<(d0, d1) -> (0)>
module attributes {stable_mosaic.version = 14 : i64} {
  func.func @_sc_gather_body(%arg0: i32, %arg1: i32, %arg2: memref<16384x64xf32, #tpu.memory_space<hbm>>, %arg3: memref<256000xi32, #tpu.memory_space<hbm>>, %arg4: memref<256000x64xf32, #tpu.memory_space<hbm>>, %arg5: memref<80xi32, #tpu.memory_space<vmem>>, %arg6: memref<80x64xf32, #tpu.memory_space<vmem>>, %arg7: memref<!tpu.dma_semaphore, #tpu.memory_space<semaphore_mem>>) attributes {dimension_semantics = [#tpu.dimension_semantics<core_parallel>, #tpu.dimension_semantics<subcore_parallel>], iteration_bounds = array<i64: 2, 16>, scalar_prefetch = 0 : i64, scratch_operands = 3 : i64, tpu.core_type = #tpu.core_type<sc_vector_subcore>, window_params = [{transform_indices = #map}, {transform_indices = #map1}, {transform_indices = #map}]} {
    %mul3A = arith.constant 2 : i32
    %mul3A_0 = arith.muli %arg1, %mul3A : i32
    %add3A = arith.addi %mul3A_0, %arg0 : i32
    %mul3A_1 = arith.constant 8000 : i32
    %mul3A_2 = arith.muli %add3A, %mul3A_1 : i32
    %scan3A = arith.constant 0 : i32
    %scan3A_3 = arith.constant 0 : i32
    %scan3A_4 = arith.constant 100 : i32
    %scan3A_5 = arith.addi %scan3A_3, %scan3A_4 : i32
    %scan3A_6 = arith.constant 1 : i32
    scf.for %scan3A_8 = %scan3A_3 to %scan3A_5 step %scan3A_6  : i32 {
      %mul3A_9 = arith.constant 80 : i32
      %mul3A_10 = arith.muli %scan3A_8, %mul3A_9 : i32
      %add3A_11 = arith.addi %mul3A_2, %mul3A_10 : i32
      "tpu.region"() ({
        %run_scoped3A = tpu.sem_alloc : memref<!tpu.dma_semaphore, #tpu.memory_space<semaphore_mem>>
        %dma_start3A_16 = tpu.memref_slice %arg3[%add3A_11] : memref<256000xi32, #tpu.memory_space<hbm>> -> memref<80xi32, #tpu.memory_space<hbm>>
        %dma_start3A_17 = tpu.memref_slice %arg3[%add3A_11] : memref<256000xi32, #tpu.memory_space<hbm>> -> memref<80xi32, #tpu.memory_space<hbm>>
        tpu.enqueue_dma source(%dma_start3A_17 : memref<80xi32, #tpu.memory_space<hbm>>) target(%arg5 : memref<80xi32, #tpu.memory_space<vmem>>) target_semaphore(%run_scoped3A : memref<!tpu.dma_semaphore, #tpu.memory_space<semaphore_mem>>)
        %dma_wait3A_18 = tpu.memref_slice %arg3[%add3A_11] : memref<256000xi32, #tpu.memory_space<hbm>> -> memref<80xi32, #tpu.memory_space<hbm>>
        %dma_wait3A_19 = tpu.memref_slice %arg3[%add3A_11] : memref<256000xi32, #tpu.memory_space<hbm>> -> memref<80xi32, #tpu.memory_space<hbm>>
        tpu.wait_dma2 semaphore(%run_scoped3A : memref<!tpu.dma_semaphore, #tpu.memory_space<semaphore_mem>>) src(%dma_wait3A_19 : memref<80xi32, #tpu.memory_space<hbm>>) dst(%arg5 : memref<80xi32, #tpu.memory_space<vmem>>)
        tpu.yield
      }) : () -> ()
      %dma_start3A = arith.constant 0 : i32
      %dma_start3A_12 = arith.constant 0 : i32
      %dma_start3A_13 = tpu.memref_slice %arg2[%dma_start3A, %dma_start3A_12] : memref<16384x64xf32, #tpu.memory_space<hbm>> -> memref<16384x64xf32, #tpu.memory_space<hbm>>
      tpu.enqueue_indirect_dma source(%dma_start3A_13 : memref<16384x64xf32, #tpu.memory_space<hbm>>) target(%arg6 : memref<80x64xf32, #tpu.memory_space<vmem>>) offsets(%arg5 : memref<80xi32, #tpu.memory_space<vmem>>) semaphore(%arg7 : memref<!tpu.dma_semaphore, #tpu.memory_space<semaphore_mem>>)
      %dma_wait3A = arith.constant 0 : i32
      %dma_wait3A_14 = arith.constant 0 : i32
      %dma_wait3A_15 = tpu.memref_slice %arg2[%dma_wait3A, %dma_wait3A_14] : memref<16384x64xf32, #tpu.memory_space<hbm>> -> memref<16384x64xf32, #tpu.memory_space<hbm>>
      tpu.wait_indirect_dma semaphore(%arg7 : memref<!tpu.dma_semaphore, #tpu.memory_space<semaphore_mem>>) src(%dma_wait3A_15 : memref<16384x64xf32, #tpu.memory_space<hbm>>) dst(%arg6 : memref<80x64xf32, #tpu.memory_space<vmem>>)
      "tpu.region"() ({
        %run_scoped3A = tpu.sem_alloc : memref<!tpu.dma_semaphore, #tpu.memory_space<semaphore_mem>>
        %dma_start3A_16 = arith.constant 0 : i32
        %dma_start3A_17 = tpu.memref_slice %arg4[%add3A_11, %dma_start3A_16] : memref<256000x64xf32, #tpu.memory_space<hbm>> -> memref<80x64xf32, #tpu.memory_space<hbm>>
        %dma_start3A_18 = arith.constant 0 : i32
        %dma_start3A_19 = tpu.memref_slice %arg4[%add3A_11, %dma_start3A_18] : memref<256000x64xf32, #tpu.memory_space<hbm>> -> memref<80x64xf32, #tpu.memory_space<hbm>>
        tpu.enqueue_dma source(%arg6 : memref<80x64xf32, #tpu.memory_space<vmem>>) target(%dma_start3A_19 : memref<80x64xf32, #tpu.memory_space<hbm>>) target_semaphore(%run_scoped3A : memref<!tpu.dma_semaphore, #tpu.memory_space<semaphore_mem>>)
        %dma_wait3A_20 = arith.constant 0 : i32
        %dma_wait3A_21 = tpu.memref_slice %arg4[%add3A_11, %dma_wait3A_20] : memref<256000x64xf32, #tpu.memory_space<hbm>> -> memref<80x64xf32, #tpu.memory_space<hbm>>
        %dma_wait3A_22 = arith.constant 0 : i32
        %dma_wait3A_23 = tpu.memref_slice %arg4[%add3A_11, %dma_wait3A_22] : memref<256000x64xf32, #tpu.memory_space<hbm>> -> memref<80x64xf32, #tpu.memory_space<hbm>>
        tpu.wait_dma2 semaphore(%run_scoped3A : memref<!tpu.dma_semaphore, #tpu.memory_space<semaphore_mem>>) src(%arg6 : memref<80x64xf32, #tpu.memory_space<vmem>>) dst(%dma_wait3A_23 : memref<80x64xf32, #tpu.memory_space<hbm>>)
        tpu.yield
      }) : () -> ()
    }
    %scan3A_7 = arith.constant 100 : i32
    return
  }
}

module attributes {stable_mosaic.version = 14 : i64} {
  func.func @_vq_idx_kernel(%arg0: i32, %arg1: memref<16x1x64x1000xf32, #tpu.memory_space<vmem>>, %arg2: memref<1x1024x64xf32, #tpu.memory_space<vmem>>, %arg3: memref<1x16x1000xi32, #tpu.memory_space<vmem>>) attributes {dimension_semantics = [#tpu.dimension_semantics<arbitrary>], iteration_bounds = array<i64: 16>, scalar_prefetch = 0 : i64, scratch_operands = 0 : i64, tpu.core_type = #tpu.core_type<tc>, window_params = [{transform_indices = @transform_0, window_bounds = array<i64: 16, 1, 64, 1000>}, {transform_indices = @transform_1, window_bounds = array<i64: 1, 1024, 64>}, {transform_indices = @transform_2, window_bounds = array<i64: 1, 16, 1000>}]} {
    %get3A = arith.constant 0 : index
    %get3A_0 = arith.constant 0 : index
    %get3A_1 = arith.constant 0 : index
    %get3A_2 = vector.load %arg2[%get3A, %get3A_0, %get3A_1] : memref<1x1024x64xf32, #tpu.memory_space<vmem>>, vector<1x1024x64xf32>
    %get3A_3 = vector.shape_cast %get3A_2 : vector<1x1024x64xf32> to vector<1024x64xf32>
    %mul3A = arith.mulf %get3A_3, %get3A_3 : vector<1024x64xf32>
    %reduce_sum3A = arith.constant dense<0.000000e+00> : vector<1024xf32>
    %reduce_sum3A_4 = vector.multi_reduction <add>, %mul3A, %reduce_sum3A [1] : vector<1024x64xf32> to vector<1024xf32>
    %broadcast_in_dim3A = vector.shape_cast %reduce_sum3A_4 : vector<1024xf32> to vector<1024x1xf32>
    %iota3A = tpu.iota {dimensions = array<i32: 0>} : vector<1024x1000xi32>
    %get3A_5 = arith.constant 0 : index
    %get3A_6 = arith.constant 0 : index
    %get3A_7 = arith.constant 0 : index
    %get3A_8 = arith.constant 0 : index
    %get3A_9 = vector.load %arg1[%get3A_5, %get3A_6, %get3A_7, %get3A_8] : memref<16x1x64x1000xf32, #tpu.memory_space<vmem>>, vector<1x1x64x1000xf32>
    %get3A_10 = vector.shape_cast %get3A_9 : vector<1x1x64x1000xf32> to vector<64x1000xf32>
    %dot_general3A = arith.constant dense<0.000000e+00> : vector<1024x1000xf32>
    %dot_general3A_11 = tpu.matmul %get3A_3, %get3A_10, %dot_general3A {dimension_numbers = #tpu.dot_dimension_numbers<[1], [0], [0], [1], [0, 0, 1, 1], [], []>, transpose_lhs_hint = false} : vector<1024x64xf32>, vector<64x1000xf32>, vector<1024x1000xf32> -> vector<1024x1000xf32>
    %mul3A_12 = arith.constant 2.000000e+00 : f32
    %mul3A_13 = vector.broadcast %mul3A_12 : f32 to vector<1024x1000xf32>
    %mul3A_14 = arith.mulf %mul3A_13, %dot_general3A_11 : vector<1024x1000xf32>
    %sub3A = vector.broadcast %broadcast_in_dim3A : vector<1024x1xf32> to vector<1024x1000xf32>
    %sub3A_15 = arith.subf %sub3A, %mul3A_14 : vector<1024x1000xf32>
    %reduce_min3A = arith.constant dense<0x7F800000> : vector<1000xf32>
    %reduce_min3A_16 = vector.multi_reduction <minimumf>, %sub3A_15, %reduce_min3A [0] : vector<1024x1000xf32> to vector<1000xf32>
    %broadcast_in_dim3A_17 = vector.shape_cast %reduce_min3A_16 : vector<1000xf32> to vector<1x1000xf32>
    %eq3A = vector.broadcast %broadcast_in_dim3A_17 : vector<1x1000xf32> to vector<1024x1000xf32>
    %eq3A_18 = arith.cmpf oeq, %sub3A_15, %eq3A : vector<1024x1000xf32>
    %jit3A = arith.constant 1024 : i32
    %broadcast_in_dim3A_19 = vector.broadcast %jit3A : i32 to vector<1024x1000xi32>
    %select_n3A = arith.select %eq3A_18, %iota3A, %broadcast_in_dim3A_19 : vector<1024x1000xi1>, vector<1024x1000xi32>
    %reduce_min3A_20 = arith.constant dense<2147483647> : vector<1000xi32>
    %reduce_min3A_21 = vector.multi_reduction <minsi>, %select_n3A, %reduce_min3A_20 [0] : vector<1024x1000xi32> to vector<1000xi32>
    %mul3A_22 = arith.constant 1024 : i32
    %mul3A_23 = arith.muli %arg0, %mul3A_22 : i32
    %add3A = vector.broadcast %mul3A_23 : i32 to vector<1000xi32>
    %add3A_24 = arith.addi %reduce_min3A_21, %add3A : vector<1000xi32>
    %swap3A = arith.constant 0 : index
    %swap3A_25 = arith.constant 0 : index
    %swap3A_26 = arith.constant 0 : index
    %swap3A_27 = vector.load %arg3[%swap3A, %swap3A_25, %swap3A_26] : memref<1x16x1000xi32, #tpu.memory_space<vmem>>, vector<1x1x1000xi32>
    %swap3A_28 = vector.shape_cast %swap3A_27 : vector<1x1x1000xi32> to vector<1000xi32>
    %swap3A_29 = vector.shape_cast %add3A_24 : vector<1000xi32> to vector<1x1x1000xi32>
    tpu.vector_store %arg3[%swap3A, %swap3A_25, %swap3A_26], %swap3A_29 {strides = array<i32>} : memref<1x16x1000xi32, #tpu.memory_space<vmem>>, vector<1x1x1000xi32>,
    %get3A_30 = arith.constant 1 : index
    %get3A_31 = arith.constant 0 : index
    %get3A_32 = arith.constant 0 : index
    %get3A_33 = arith.constant 0 : index
    %get3A_34 = vector.load %arg1[%get3A_30, %get3A_31, %get3A_32, %get3A_33] : memref<16x1x64x1000xf32, #tpu.memory_space<vmem>>, vector<1x1x64x1000xf32>
    %get3A_35 = vector.shape_cast %get3A_34 : vector<1x1x64x1000xf32> to vector<64x1000xf32>
    %dot_general3A_36 = arith.constant dense<0.000000e+00> : vector<1024x1000xf32>
    %dot_general3A_37 = tpu.matmul %get3A_3, %get3A_35, %dot_general3A_36 {dimension_numbers = #tpu.dot_dimension_numbers<[1], [0], [0], [1], [0, 0, 1, 1], [], []>, transpose_lhs_hint = false} : vector<1024x64xf32>, vector<64x1000xf32>, vector<1024x1000xf32> -> vector<1024x1000xf32>
    %mul3A_38 = arith.constant 2.000000e+00 : f32
    %mul3A_39 = vector.broadcast %mul3A_38 : f32 to vector<1024x1000xf32>
    %mul3A_40 = arith.mulf %mul3A_39, %dot_general3A_37 : vector<1024x1000xf32>
    %sub3A_41 = vector.broadcast %broadcast_in_dim3A : vector<1024x1xf32> to vector<1024x1000xf32>
    %sub3A_42 = arith.subf %sub3A_41, %mul3A_40 : vector<1024x1000xf32>
    %reduce_min3A_43 = arith.constant dense<0x7F800000> : vector<1000xf32>
    %reduce_min3A_44 = vector.multi_reduction <minimumf>, %sub3A_42, %reduce_min3A_43 [0] : vector<1024x1000xf32> to vector<1000xf32>
    %broadcast_in_dim3A_45 = vector.shape_cast %reduce_min3A_44 : vector<1000xf32> to vector<1x1000xf32>
    %eq3A_46 = vector.broadcast %broadcast_in_dim3A_45 : vector<1x1000xf32> to vector<1024x1000xf32>
    %eq3A_47 = arith.cmpf oeq, %sub3A_42, %eq3A_46 : vector<1024x1000xf32>
    %jit3A_48 = arith.constant 1024 : i32
    %broadcast_in_dim3A_49 = vector.broadcast %jit3A_48 : i32 to vector<1024x1000xi32>
    %select_n3A_50 = arith.select %eq3A_47, %iota3A, %broadcast_in_dim3A_49 : vector<1024x1000xi1>, vector<1024x1000xi32>
    %reduce_min3A_51 = arith.constant dense<2147483647> : vector<1000xi32>
    %reduce_min3A_52 = vector.multi_reduction <minsi>, %select_n3A_50, %reduce_min3A_51 [0] : vector<1024x1000xi32> to vector<1000xi32>
    %mul3A_53 = arith.constant 1024 : i32
    %mul3A_54 = arith.muli %arg0, %mul3A_53 : i32
    %add3A_55 = vector.broadcast %mul3A_54 : i32 to vector<1000xi32>
    %add3A_56 = arith.addi %reduce_min3A_52, %add3A_55 : vector<1000xi32>
    %swap3A_57 = arith.constant 0 : index
    %swap3A_58 = arith.constant 1 : index
    %swap3A_59 = arith.constant 0 : index
    %swap3A_60 = vector.load %arg3[%swap3A_57, %swap3A_58, %swap3A_59] : memref<1x16x1000xi32, #tpu.memory_space<vmem>>, vector<1x1x1000xi32>
    %swap3A_61 = vector.shape_cast %swap3A_60 : vector<1x1x1000xi32> to vector<1000xi32>
    %swap3A_62 = vector.shape_cast %add3A_56 : vector<1000xi32> to vector<1x1x1000xi32>
    tpu.vector_store %arg3[%swap3A_57, %swap3A_58, %swap3A_59], %swap3A_62 {strides = array<i32>} : memref<1x16x1000xi32, #tpu.memory_space<vmem>>, vector<1x1x1000xi32>,
    %get3A_63 = arith.constant 2 : index
    %get3A_64 = arith.constant 0 : index
    %get3A_65 = arith.constant 0 : index
    %get3A_66 = arith.constant 0 : index
    %get3A_67 = vector.load %arg1[%get3A_63, %get3A_64, %get3A_65, %get3A_66] : memref<16x1x64x1000xf32, #tpu.memory_space<vmem>>, vector<1x1x64x1000xf32>
    %get3A_68 = vector.shape_cast %get3A_67 : vector<1x1x64x1000xf32> to vector<64x1000xf32>
    %dot_general3A_69 = arith.constant dense<0.000000e+00> : vector<1024x1000xf32>
    %dot_general3A_70 = tpu.matmul %get3A_3, %get3A_68, %dot_general3A_69 {dimension_numbers = #tpu.dot_dimension_numbers<[1], [0], [0], [1], [0, 0, 1, 1], [], []>, transpose_lhs_hint = false} : vector<1024x64xf32>, vector<64x1000xf32>, vector<1024x1000xf32> -> vector<1024x1000xf32>
    %mul3A_71 = arith.constant 2.000000e+00 : f32
    %mul3A_72 = vector.broadcast %mul3A_71 : f32 to vector<1024x1000xf32>
    %mul3A_73 = arith.mulf %mul3A_72, %dot_general3A_70 : vector<1024x1000xf32>
    %sub3A_74 = vector.broadcast %broadcast_in_dim3A : vector<1024x1xf32> to vector<1024x1000xf32>
    %sub3A_75 = arith.subf %sub3A_74, %mul3A_73 : vector<1024x1000xf32>
    %reduce_min3A_76 = arith.constant dense<0x7F800000> : vector<1000xf32>
    %reduce_min3A_77 = vector.multi_reduction <minimumf>, %sub3A_75, %reduce_min3A_76 [0] : vector<1024x1000xf32> to vector<1000xf32>
    %broadcast_in_dim3A_78 = vector.shape_cast %reduce_min3A_77 : vector<1000xf32> to vector<1x1000xf32>
    %eq3A_79 = vector.broadcast %broadcast_in_dim3A_78 : vector<1x1000xf32> to vector<1024x1000xf32>
    %eq3A_80 = arith.cmpf oeq, %sub3A_75, %eq3A_79 : vector<1024x1000xf32>
    %jit3A_81 = arith.constant 1024 : i32
    %broadcast_in_dim3A_82 = vector.broadcast %jit3A_81 : i32 to vector<1024x1000xi32>
    %select_n3A_83 = arith.select %eq3A_80, %iota3A, %broadcast_in_dim3A_82 : vector<1024x1000xi1>, vector<1024x1000xi32>
    %reduce_min3A_84 = arith.constant dense<2147483647> : vector<1000xi32>
    %reduce_min3A_85 = vector.multi_reduction <minsi>, %select_n3A_83, %reduce_min3A_84 [0] : vector<1024x1000xi32> to vector<1000xi32>
    %mul3A_86 = arith.constant 1024 : i32
    %mul3A_87 = arith.muli %arg0, %mul3A_86 : i32
    %add3A_88 = vector.broadcast %mul3A_87 : i32 to vector<1000xi32>
    %add3A_89 = arith.addi %reduce_min3A_85, %add3A_88 : vector<1000xi32>
    %swap3A_90 = arith.constant 0 : index
    %swap3A_91 = arith.constant 2 : index
    %swap3A_92 = arith.constant 0 : index
    %swap3A_93 = vector.load %arg3[%swap3A_90, %swap3A_91, %swap3A_92] : memref<1x16x1000xi32, #tpu.memory_space<vmem>>, vector<1x1x1000xi32>
    %swap3A_94 = vector.shape_cast %swap3A_93 : vector<1x1x1000xi32> to vector<1000xi32>
    %swap3A_95 = vector.shape_cast %add3A_89 : vector<1000xi32> to vector<1x1x1000xi32>
    tpu.vector_store %arg3[%swap3A_90, %swap3A_91, %swap3A_92], %swap3A_95 {strides = array<i32>} : memref<1x16x1000xi32, #tpu.memory_space<vmem>>, vector<1x1x1000xi32>,
    %get3A_96 = arith.constant 3 : index
    %get3A_97 = arith.constant 0 : index
    %get3A_98 = arith.constant 0 : index
    %get3A_99 = arith.constant 0 : index
    %get3A_100 = vector.load %arg1[%get3A_96, %get3A_97, %get3A_98, %get3A_99] : memref<16x1x64x1000xf32, #tpu.memory_space<vmem>>, vector<1x1x64x1000xf32>
    %get3A_101 = vector.shape_cast %get3A_100 : vector<1x1x64x1000xf32> to vector<64x1000xf32>
    %dot_general3A_102 = arith.constant dense<0.000000e+00> : vector<1024x1000xf32>
    %dot_general3A_103 = tpu.matmul %get3A_3, %get3A_101, %dot_general3A_102 {dimension_numbers = #tpu.dot_dimension_numbers<[1], [0], [0], [1], [0, 0, 1, 1], [], []>, transpose_lhs_hint = false} : vector<1024x64xf32>, vector<64x1000xf32>, vector<1024x1000xf32> -> vector<1024x1000xf32>
    %mul3A_104 = arith.constant 2.000000e+00 : f32
    %mul3A_105 = vector.broadcast %mul3A_104 : f32 to vector<1024x1000xf32>
    %mul3A_106 = arith.mulf %mul3A_105, %dot_general3A_103 : vector<1024x1000xf32>
    %sub3A_107 = vector.broadcast %broadcast_in_dim3A : vector<1024x1xf32> to vector<1024x1000xf32>
    %sub3A_108 = arith.subf %sub3A_107, %mul3A_106 : vector<1024x1000xf32>
    %reduce_min3A_109 = arith.constant dense<0x7F800000> : vector<1000xf32>
    %reduce_min3A_110 = vector.multi_reduction <minimumf>, %sub3A_108, %reduce_min3A_109 [0] : vector<1024x1000xf32> to vector<1000xf32>
    %broadcast_in_dim3A_111 = vector.shape_cast %reduce_min3A_110 : vector<1000xf32> to vector<1x1000xf32>
    %eq3A_112 = vector.broadcast %broadcast_in_dim3A_111 : vector<1x1000xf32> to vector<1024x1000xf32>
    %eq3A_113 = arith.cmpf oeq, %sub3A_108, %eq3A_112 : vector<1024x1000xf32>
    %jit3A_114 = arith.constant 1024 : i32
    %broadcast_in_dim3A_115 = vector.broadcast %jit3A_114 : i32 to vector<1024x1000xi32>
    %select_n3A_116 = arith.select %eq3A_113, %iota3A, %broadcast_in_dim3A_115 : vector<1024x1000xi1>, vector<1024x1000xi32>
    %reduce_min3A_117 = arith.constant dense<2147483647> : vector<1000xi32>
    %reduce_min3A_118 = vector.multi_reduction <minsi>, %select_n3A_116, %reduce_min3A_117 [0] : vector<1024x1000xi32> to vector<1000xi32>
    %mul3A_119 = arith.constant 1024 : i32
    %mul3A_120 = arith.muli %arg0, %mul3A_119 : i32
    %add3A_121 = vector.broadcast %mul3A_120 : i32 to vector<1000xi32>
    %add3A_122 = arith.addi %reduce_min3A_118, %add3A_121 : vector<1000xi32>
    %swap3A_123 = arith.constant 0 : index
    %swap3A_124 = arith.constant 3 : index
    %swap3A_125 = arith.constant 0 : index
    %swap3A_126 = vector.load %arg3[%swap3A_123, %swap3A_124, %swap3A_125] : memref<1x16x1000xi32, #tpu.memory_space<vmem>>, vector<1x1x1000xi32>
    %swap3A_127 = vector.shape_cast %swap3A_126 : vector<1x1x1000xi32> to vector<1000xi32>
    %swap3A_128 = vector.shape_cast %add3A_122 : vector<1000xi32> to vector<1x1x1000xi32>
    tpu.vector_store %arg3[%swap3A_123, %swap3A_124, %swap3A_125], %swap3A_128 {strides = array<i32>} : memref<1x16x1000xi32, #tpu.memory_space<vmem>>, vector<1x1x1000xi32>,
    %get3A_129 = arith.constant 4 : index
    %get3A_130 = arith.constant 0 : index
    %get3A_131 = arith.constant 0 : index
    %get3A_132 = arith.constant 0 : index
    %get3A_133 = vector.load %arg1[%get3A_129, %get3A_130, %get3A_131, %get3A_132] : memref<16x1x64x1000xf32, #tpu.memory_space<vmem>>, vector<1x1x64x1000xf32>
    %get3A_134 = vector.shape_cast %get3A_133 : vector<1x1x64x1000xf32> to vector<64x1000xf32>
    %dot_general3A_135 = arith.constant dense<0.000000e+00> : vector<1024x1000xf32>
    %dot_general3A_136 = tpu.matmul %get3A_3, %get3A_134, %dot_general3A_135 {dimension_numbers = #tpu.dot_dimension_numbers<[1], [0], [0], [1], [0, 0, 1, 1], [], []>, transpose_lhs_hint = false} : vector<1024x64xf32>, vector<64x1000xf32>, vector<1024x1000xf32> -> vector<1024x1000xf32>
    %mul3A_137 = arith.constant 2.000000e+00 : f32
    %mul3A_138 = vector.broadcast %mul3A_137 : f32 to vector<1024x1000xf32>
    %mul3A_139 = arith.mulf %mul3A_138, %dot_general3A_136 : vector<1024x1000xf32>
    %sub3A_140 = vector.broadcast %broadcast_in_dim3A : vector<1024x1xf32> to vector<1024x1000xf32>
    %sub3A_141 = arith.subf %sub3A_140, %mul3A_139 : vector<1024x1000xf32>
    %reduce_min3A_142 = arith.constant dense<0x7F800000> : vector<1000xf32>
    %reduce_min3A_143 = vector.multi_reduction <minimumf>, %sub3A_141, %reduce_min3A_142 [0] : vector<1024x1000xf32> to vector<1000xf32>
    %broadcast_in_dim3A_144 = vector.shape_cast %reduce_min3A_143 : vector<1000xf32> to vector<1x1000xf32>
    %eq3A_145 = vector.broadcast %broadcast_in_dim3A_144 : vector<1x1000xf32> to vector<1024x1000xf32>
    %eq3A_146 = arith.cmpf oeq, %sub3A_141, %eq3A_145 : vector<1024x1000xf32>
    %jit3A_147 = arith.constant 1024 : i32
    %broadcast_in_dim3A_148 = vector.broadcast %jit3A_147 : i32 to vector<1024x1000xi32>
    %select_n3A_149 = arith.select %eq3A_146, %iota3A, %broadcast_in_dim3A_148 : vector<1024x1000xi1>, vector<1024x1000xi32>
    %reduce_min3A_150 = arith.constant dense<2147483647> : vector<1000xi32>
    %reduce_min3A_151 = vector.multi_reduction <minsi>, %select_n3A_149, %reduce_min3A_150 [0] : vector<1024x1000xi32> to vector<1000xi32>
    %mul3A_152 = arith.constant 1024 : i32
    %mul3A_153 = arith.muli %arg0, %mul3A_152 : i32
    %add3A_154 = vector.broadcast %mul3A_153 : i32 to vector<1000xi32>
    %add3A_155 = arith.addi %reduce_min3A_151, %add3A_154 : vector<1000xi32>
    %swap3A_156 = arith.constant 0 : index
    %swap3A_157 = arith.constant 4 : index
    %swap3A_158 = arith.constant 0 : index
    %swap3A_159 = vector.load %arg3[%swap3A_156, %swap3A_157, %swap3A_158] : memref<1x16x1000xi32, #tpu.memory_space<vmem>>, vector<1x1x1000xi32>
    %swap3A_160 = vector.shape_cast %swap3A_159 : vector<1x1x1000xi32> to vector<1000xi32>
    %swap3A_161 = vector.shape_cast %add3A_155 : vector<1000xi32> to vector<1x1x1000xi32>
    tpu.vector_store %arg3[%swap3A_156, %swap3A_157, %swap3A_158], %swap3A_161 {strides = array<i32>} : memref<1x16x1000xi32, #tpu.memory_space<vmem>>, vector<1x1x1000xi32>,
    %get3A_162 = arith.constant 5 : index
    %get3A_163 = arith.constant 0 : index
    %get3A_164 = arith.constant 0 : index
    %get3A_165 = arith.constant 0 : index
    %get3A_166 = vector.load %arg1[%get3A_162, %get3A_163, %get3A_164, %get3A_165] : memref<16x1x64x1000xf32, #tpu.memory_space<vmem>>, vector<1x1x64x1000xf32>
    %get3A_167 = vector.shape_cast %get3A_166 : vector<1x1x64x1000xf32> to vector<64x1000xf32>
    %dot_general3A_168 = arith.constant dense<0.000000e+00> : vector<1024x1000xf32>
    %dot_general3A_169 = tpu.matmul %get3A_3, %get3A_167, %dot_general3A_168 {dimension_numbers = #tpu.dot_dimension_numbers<[1], [0], [0], [1], [0, 0, 1, 1], [], []>, transpose_lhs_hint = false} : vector<1024x64xf32>, vector<64x1000xf32>, vector<1024x1000xf32> -> vector<1024x1000xf32>
    %mul3A_170 = arith.constant 2.000000e+00 : f32
    %mul3A_171 = vector.broadcast %mul3A_170 : f32 to vector<1024x1000xf32>
    %mul3A_172 = arith.mulf %mul3A_171, %dot_general3A_169 : vector<1024x1000xf32>
    %sub3A_173 = vector.broadcast %broadcast_in_dim3A : vector<1024x1xf32> to vector<1024x1000xf32>
    %sub3A_174 = arith.subf %sub3A_173, %mul3A_172 : vector<1024x1000xf32>
    %reduce_min3A_175 = arith.constant dense<0x7F800000> : vector<1000xf32>
    %reduce_min3A_176 = vector.multi_reduction <minimumf>, %sub3A_174, %reduce_min3A_175 [0] : vector<1024x1000xf32> to vector<1000xf32>
    %broadcast_in_dim3A_177 = vector.shape_cast %reduce_min3A_176 : vector<1000xf32> to vector<1x1000xf32>
    %eq3A_178 = vector.broadcast %broadcast_in_dim3A_177 : vector<1x1000xf32> to vector<1024x1000xf32>
    %eq3A_179 = arith.cmpf oeq, %sub3A_174, %eq3A_178 : vector<1024x1000xf32>
    %jit3A_180 = arith.constant 1024 : i32
    %broadcast_in_dim3A_181 = vector.broadcast %jit3A_180 : i32 to vector<1024x1000xi32>
    %select_n3A_182 = arith.select %eq3A_179, %iota3A, %broadcast_in_dim3A_181 : vector<1024x1000xi1>, vector<1024x1000xi32>
    %reduce_min3A_183 = arith.constant dense<2147483647> : vector<1000xi32>
    %reduce_min3A_184 = vector.multi_reduction <minsi>, %select_n3A_182, %reduce_min3A_183 [0] : vector<1024x1000xi32> to vector<1000xi32>
    %mul3A_185 = arith.constant 1024 : i32
    %mul3A_186 = arith.muli %arg0, %mul3A_185 : i32
    %add3A_187 = vector.broadcast %mul3A_186 : i32 to vector<1000xi32>
    %add3A_188 = arith.addi %reduce_min3A_184, %add3A_187 : vector<1000xi32>
    %swap3A_189 = arith.constant 0 : index
    %swap3A_190 = arith.constant 5 : index
    %swap3A_191 = arith.constant 0 : index
    %swap3A_192 = vector.load %arg3[%swap3A_189, %swap3A_190, %swap3A_191] : memref<1x16x1000xi32, #tpu.memory_space<vmem>>, vector<1x1x1000xi32>
    %swap3A_193 = vector.shape_cast %swap3A_192 : vector<1x1x1000xi32> to vector<1000xi32>
    %swap3A_194 = vector.shape_cast %add3A_188 : vector<1000xi32> to vector<1x1x1000xi32>
    tpu.vector_store %arg3[%swap3A_189, %swap3A_190, %swap3A_191], %swap3A_194 {strides = array<i32>} : memref<1x16x1000xi32, #tpu.memory_space<vmem>>, vector<1x1x1000xi32>,
    %get3A_195 = arith.constant 6 : index
    %get3A_196 = arith.constant 0 : index
    %get3A_197 = arith.constant 0 : index
    %get3A_198 = arith.constant 0 : index
    %get3A_199 = vector.load %arg1[%get3A_195, %get3A_196, %get3A_197, %get3A_198] : memref<16x1x64x1000xf32, #tpu.memory_space<vmem>>, vector<1x1x64x1000xf32>
    %get3A_200 = vector.shape_cast %get3A_199 : vector<1x1x64x1000xf32> to vector<64x1000xf32>
    %dot_general3A_201 = arith.constant dense<0.000000e+00> : vector<1024x1000xf32>
    %dot_general3A_202 = tpu.matmul %get3A_3, %get3A_200, %dot_general3A_201 {dimension_numbers = #tpu.dot_dimension_numbers<[1], [0], [0], [1], [0, 0, 1, 1], [], []>, transpose_lhs_hint = false} : vector<1024x64xf32>, vector<64x1000xf32>, vector<1024x1000xf32> -> vector<1024x1000xf32>
    %mul3A_203 = arith.constant 2.000000e+00 : f32
    %mul3A_204 = vector.broadcast %mul3A_203 : f32 to vector<1024x1000xf32>
    %mul3A_205 = arith.mulf %mul3A_204, %dot_general3A_202 : vector<1024x1000xf32>
    %sub3A_206 = vector.broadcast %broadcast_in_dim3A : vector<1024x1xf32> to vector<1024x1000xf32>
    %sub3A_207 = arith.subf %sub3A_206, %mul3A_205 : vector<1024x1000xf32>
    %reduce_min3A_208 = arith.constant dense<0x7F800000> : vector<1000xf32>
    %reduce_min3A_209 = vector.multi_reduction <minimumf>, %sub3A_207, %reduce_min3A_208 [0] : vector<1024x1000xf32> to vector<1000xf32>
    %broadcast_in_dim3A_210 = vector.shape_cast %reduce_min3A_209 : vector<1000xf32> to vector<1x1000xf32>
    %eq3A_211 = vector.broadcast %broadcast_in_dim3A_210 : vector<1x1000xf32> to vector<1024x1000xf32>
    %eq3A_212 = arith.cmpf oeq, %sub3A_207, %eq3A_211 : vector<1024x1000xf32>
    %jit3A_213 = arith.constant 1024 : i32
    %broadcast_in_dim3A_214 = vector.broadcast %jit3A_213 : i32 to vector<1024x1000xi32>
    %select_n3A_215 = arith.select %eq3A_212, %iota3A, %broadcast_in_dim3A_214 : vector<1024x1000xi1>, vector<1024x1000xi32>
    %reduce_min3A_216 = arith.constant dense<2147483647> : vector<1000xi32>
    %reduce_min3A_217 = vector.multi_reduction <minsi>, %select_n3A_215, %reduce_min3A_216 [0] : vector<1024x1000xi32> to vector<1000xi32>
    %mul3A_218 = arith.constant 1024 : i32
    %mul3A_219 = arith.muli %arg0, %mul3A_218 : i32
    %add3A_220 = vector.broadcast %mul3A_219 : i32 to vector<1000xi32>
    %add3A_221 = arith.addi %reduce_min3A_217, %add3A_220 : vector<1000xi32>
    %swap3A_222 = arith.constant 0 : index
    %swap3A_223 = arith.constant 6 : index
    %swap3A_224 = arith.constant 0 : index
    %swap3A_225 = vector.load %arg3[%swap3A_222, %swap3A_223, %swap3A_224] : memref<1x16x1000xi32, #tpu.memory_space<vmem>>, vector<1x1x1000xi32>
    %swap3A_226 = vector.shape_cast %swap3A_225 : vector<1x1x1000xi32> to vector<1000xi32>
    %swap3A_227 = vector.shape_cast %add3A_221 : vector<1000xi32> to vector<1x1x1000xi32>
    tpu.vector_store %arg3[%swap3A_222, %swap3A_223, %swap3A_224], %swap3A_227 {strides = array<i32>} : memref<1x16x1000xi32, #tpu.memory_space<vmem>>, vector<1x1x1000xi32>,
    %get3A_228 = arith.constant 7 : index
    %get3A_229 = arith.constant 0 : index
    %get3A_230 = arith.constant 0 : index
    %get3A_231 = arith.constant 0 : index
    %get3A_232 = vector.load %arg1[%get3A_228, %get3A_229, %get3A_230, %get3A_231] : memref<16x1x64x1000xf32, #tpu.memory_space<vmem>>, vector<1x1x64x1000xf32>
    %get3A_233 = vector.shape_cast %get3A_232 : vector<1x1x64x1000xf32> to vector<64x1000xf32>
    %dot_general3A_234 = arith.constant dense<0.000000e+00> : vector<1024x1000xf32>
    %dot_general3A_235 = tpu.matmul %get3A_3, %get3A_233, %dot_general3A_234 {dimension_numbers = #tpu.dot_dimension_numbers<[1], [0], [0], [1], [0, 0, 1, 1], [], []>, transpose_lhs_hint = false} : vector<1024x64xf32>, vector<64x1000xf32>, vector<1024x1000xf32> -> vector<1024x1000xf32>
    %mul3A_236 = arith.constant 2.000000e+00 : f32
    %mul3A_237 = vector.broadcast %mul3A_236 : f32 to vector<1024x1000xf32>
    %mul3A_238 = arith.mulf %mul3A_237, %dot_general3A_235 : vector<1024x1000xf32>
    %sub3A_239 = vector.broadcast %broadcast_in_dim3A : vector<1024x1xf32> to vector<1024x1000xf32>
    %sub3A_240 = arith.subf %sub3A_239, %mul3A_238 : vector<1024x1000xf32>
    %reduce_min3A_241 = arith.constant dense<0x7F800000> : vector<1000xf32>
    %reduce_min3A_242 = vector.multi_reduction <minimumf>, %sub3A_240, %reduce_min3A_241 [0] : vector<1024x1000xf32> to vector<1000xf32>
    %broadcast_in_dim3A_243 = vector.shape_cast %reduce_min3A_242 : vector<1000xf32> to vector<1x1000xf32>
    %eq3A_244 = vector.broadcast %broadcast_in_dim3A_243 : vector<1x1000xf32> to vector<1024x1000xf32>
    %eq3A_245 = arith.cmpf oeq, %sub3A_240, %eq3A_244 : vector<1024x1000xf32>
    %jit3A_246 = arith.constant 1024 : i32
    %broadcast_in_dim3A_247 = vector.broadcast %jit3A_246 : i32 to vector<1024x1000xi32>
    %select_n3A_248 = arith.select %eq3A_245, %iota3A, %broadcast_in_dim3A_247 : vector<1024x1000xi1>, vector<1024x1000xi32>
    %reduce_min3A_249 = arith.constant dense<2147483647> : vector<1000xi32>
    %reduce_min3A_250 = vector.multi_reduction <minsi>, %select_n3A_248, %reduce_min3A_249 [0] : vector<1024x1000xi32> to vector<1000xi32>
    %mul3A_251 = arith.constant 1024 : i32
    %mul3A_252 = arith.muli %arg0, %mul3A_251 : i32
    %add3A_253 = vector.broadcast %mul3A_252 : i32 to vector<1000xi32>
    %add3A_254 = arith.addi %reduce_min3A_250, %add3A_253 : vector<1000xi32>
    %swap3A_255 = arith.constant 0 : index
    %swap3A_256 = arith.constant 7 : index
    %swap3A_257 = arith.constant 0 : index
    %swap3A_258 = vector.load %arg3[%swap3A_255, %swap3A_256, %swap3A_257] : memref<1x16x1000xi32, #tpu.memory_space<vmem>>, vector<1x1x1000xi32>
    %swap3A_259 = vector.shape_cast %swap3A_258 : vector<1x1x1000xi32> to vector<1000xi32>
    %swap3A_260 = vector.shape_cast %add3A_254 : vector<1000xi32> to vector<1x1x1000xi32>
    tpu.vector_store %arg3[%swap3A_255, %swap3A_256, %swap3A_257], %swap3A_260 {strides = array<i32>} : memref<1x16x1000xi32, #tpu.memory_space<vmem>>, vector<1x1x1000xi32>,
    %get3A_261 = arith.constant 8 : index
    %get3A_262 = arith.constant 0 : index
    %get3A_263 = arith.constant 0 : index
    %get3A_264 = arith.constant 0 : index
    %get3A_265 = vector.load %arg1[%get3A_261, %get3A_262, %get3A_263, %get3A_264] : memref<16x1x64x1000xf32, #tpu.memory_space<vmem>>, vector<1x1x64x1000xf32>
    %get3A_266 = vector.shape_cast %get3A_265 : vector<1x1x64x1000xf32> to vector<64x1000xf32>
    %dot_general3A_267 = arith.constant dense<0.000000e+00> : vector<1024x1000xf32>
    %dot_general3A_268 = tpu.matmul %get3A_3, %get3A_266, %dot_general3A_267 {dimension_numbers = #tpu.dot_dimension_numbers<[1], [0], [0], [1], [0, 0, 1, 1], [], []>, transpose_lhs_hint = false} : vector<1024x64xf32>, vector<64x1000xf32>, vector<1024x1000xf32> -> vector<1024x1000xf32>
    %mul3A_269 = arith.constant 2.000000e+00 : f32
    %mul3A_270 = vector.broadcast %mul3A_269 : f32 to vector<1024x1000xf32>
    %mul3A_271 = arith.mulf %mul3A_270, %dot_general3A_268 : vector<1024x1000xf32>
    %sub3A_272 = vector.broadcast %broadcast_in_dim3A : vector<1024x1xf32> to vector<1024x1000xf32>
    %sub3A_273 = arith.subf %sub3A_272, %mul3A_271 : vector<1024x1000xf32>
    %reduce_min3A_274 = arith.constant dense<0x7F800000> : vector<1000xf32>
    %reduce_min3A_275 = vector.multi_reduction <minimumf>, %sub3A_273, %reduce_min3A_274 [0] : vector<1024x1000xf32> to vector<1000xf32>
    %broadcast_in_dim3A_276 = vector.shape_cast %reduce_min3A_275 : vector<1000xf32> to vector<1x1000xf32>
    %eq3A_277 = vector.broadcast %broadcast_in_dim3A_276 : vector<1x1000xf32> to vector<1024x1000xf32>
    %eq3A_278 = arith.cmpf oeq, %sub3A_273, %eq3A_277 : vector<1024x1000xf32>
    %jit3A_279 = arith.constant 1024 : i32
    %broadcast_in_dim3A_280 = vector.broadcast %jit3A_279 : i32 to vector<1024x1000xi32>
    %select_n3A_281 = arith.select %eq3A_278, %iota3A, %broadcast_in_dim3A_280 : vector<1024x1000xi1>, vector<1024x1000xi32>
    %reduce_min3A_282 = arith.constant dense<2147483647> : vector<1000xi32>
    %reduce_min3A_283 = vector.multi_reduction <minsi>, %select_n3A_281, %reduce_min3A_282 [0] : vector<1024x1000xi32> to vector<1000xi32>
    %mul3A_284 = arith.constant 1024 : i32
    %mul3A_285 = arith.muli %arg0, %mul3A_284 : i32
    %add3A_286 = vector.broadcast %mul3A_285 : i32 to vector<1000xi32>
    %add3A_287 = arith.addi %reduce_min3A_283, %add3A_286 : vector<1000xi32>
    %swap3A_288 = arith.constant 0 : index
    %swap3A_289 = arith.constant 8 : index
    %swap3A_290 = arith.constant 0 : index
    %swap3A_291 = vector.load %arg3[%swap3A_288, %swap3A_289, %swap3A_290] : memref<1x16x1000xi32, #tpu.memory_space<vmem>>, vector<1x1x1000xi32>
    %swap3A_292 = vector.shape_cast %swap3A_291 : vector<1x1x1000xi32> to vector<1000xi32>
    %swap3A_293 = vector.shape_cast %add3A_287 : vector<1000xi32> to vector<1x1x1000xi32>
    tpu.vector_store %arg3[%swap3A_288, %swap3A_289, %swap3A_290], %swap3A_293 {strides = array<i32>} : memref<1x16x1000xi32, #tpu.memory_space<vmem>>, vector<1x1x1000xi32>,
    %get3A_294 = arith.constant 9 : index
    %get3A_295 = arith.constant 0 : index
    %get3A_296 = arith.constant 0 : index
    %get3A_297 = arith.constant 0 : index
    %get3A_298 = vector.load %arg1[%get3A_294, %get3A_295, %get3A_296, %get3A_297] : memref<16x1x64x1000xf32, #tpu.memory_space<vmem>>, vector<1x1x64x1000xf32>
    %get3A_299 = vector.shape_cast %get3A_298 : vector<1x1x64x1000xf32> to vector<64x1000xf32>
    %dot_general3A_300 = arith.constant dense<0.000000e+00> : vector<1024x1000xf32>
    %dot_general3A_301 = tpu.matmul %get3A_3, %get3A_299, %dot_general3A_300 {dimension_numbers = #tpu.dot_dimension_numbers<[1], [0], [0], [1], [0, 0, 1, 1], [], []>, transpose_lhs_hint = false} : vector<1024x64xf32>, vector<64x1000xf32>, vector<1024x1000xf32> -> vector<1024x1000xf32>
    %mul3A_302 = arith.constant 2.000000e+00 : f32
    %mul3A_303 = vector.broadcast %mul3A_302 : f32 to vector<1024x1000xf32>
    %mul3A_304 = arith.mulf %mul3A_303, %dot_general3A_301 : vector<1024x1000xf32>
    %sub3A_305 = vector.broadcast %broadcast_in_dim3A : vector<1024x1xf32> to vector<1024x1000xf32>
    %sub3A_306 = arith.subf %sub3A_305, %mul3A_304 : vector<1024x1000xf32>
    %reduce_min3A_307 = arith.constant dense<0x7F800000> : vector<1000xf32>
    %reduce_min3A_308 = vector.multi_reduction <minimumf>, %sub3A_306, %reduce_min3A_307 [0] : vector<1024x1000xf32> to vector<1000xf32>
    %broadcast_in_dim3A_309 = vector.shape_cast %reduce_min3A_308 : vector<1000xf32> to vector<1x1000xf32>
    %eq3A_310 = vector.broadcast %broadcast_in_dim3A_309 : vector<1x1000xf32> to vector<1024x1000xf32>
    %eq3A_311 = arith.cmpf oeq, %sub3A_306, %eq3A_310 : vector<1024x1000xf32>
    %jit3A_312 = arith.constant 1024 : i32
    %broadcast_in_dim3A_313 = vector.broadcast %jit3A_312 : i32 to vector<1024x1000xi32>
    %select_n3A_314 = arith.select %eq3A_311, %iota3A, %broadcast_in_dim3A_313 : vector<1024x1000xi1>, vector<1024x1000xi32>
    %reduce_min3A_315 = arith.constant dense<2147483647> : vector<1000xi32>
    %reduce_min3A_316 = vector.multi_reduction <minsi>, %select_n3A_314, %reduce_min3A_315 [0] : vector<1024x1000xi32> to vector<1000xi32>
    %mul3A_317 = arith.constant 1024 : i32
    %mul3A_318 = arith.muli %arg0, %mul3A_317 : i32
    %add3A_319 = vector.broadcast %mul3A_318 : i32 to vector<1000xi32>
    %add3A_320 = arith.addi %reduce_min3A_316, %add3A_319 : vector<1000xi32>
    %swap3A_321 = arith.constant 0 : index
    %swap3A_322 = arith.constant 9 : index
    %swap3A_323 = arith.constant 0 : index
    %swap3A_324 = vector.load %arg3[%swap3A_321, %swap3A_322, %swap3A_323] : memref<1x16x1000xi32, #tpu.memory_space<vmem>>, vector<1x1x1000xi32>
    %swap3A_325 = vector.shape_cast %swap3A_324 : vector<1x1x1000xi32> to vector<1000xi32>
    %swap3A_326 = vector.shape_cast %add3A_320 : vector<1000xi32> to vector<1x1x1000xi32>
    tpu.vector_store %arg3[%swap3A_321, %swap3A_322, %swap3A_323], %swap3A_326 {strides = array<i32>} : memref<1x16x1000xi32, #tpu.memory_space<vmem>>, vector<1x1x1000xi32>,
    %get3A_327 = arith.constant 10 : index
    %get3A_328 = arith.constant 0 : index
    %get3A_329 = arith.constant 0 : index
    %get3A_330 = arith.constant 0 : index
    %get3A_331 = vector.load %arg1[%get3A_327, %get3A_328, %get3A_329, %get3A_330] : memref<16x1x64x1000xf32, #tpu.memory_space<vmem>>, vector<1x1x64x1000xf32>
    %get3A_332 = vector.shape_cast %get3A_331 : vector<1x1x64x1000xf32> to vector<64x1000xf32>
    %dot_general3A_333 = arith.constant dense<0.000000e+00> : vector<1024x1000xf32>
    %dot_general3A_334 = tpu.matmul %get3A_3, %get3A_332, %dot_general3A_333 {dimension_numbers = #tpu.dot_dimension_numbers<[1], [0], [0], [1], [0, 0, 1, 1], [], []>, transpose_lhs_hint = false} : vector<1024x64xf32>, vector<64x1000xf32>, vector<1024x1000xf32> -> vector<1024x1000xf32>
    %mul3A_335 = arith.constant 2.000000e+00 : f32
    %mul3A_336 = vector.broadcast %mul3A_335 : f32 to vector<1024x1000xf32>
    %mul3A_337 = arith.mulf %mul3A_336, %dot_general3A_334 : vector<1024x1000xf32>
    %sub3A_338 = vector.broadcast %broadcast_in_dim3A : vector<1024x1xf32> to vector<1024x1000xf32>
    %sub3A_339 = arith.subf %sub3A_338, %mul3A_337 : vector<1024x1000xf32>
    %reduce_min3A_340 = arith.constant dense<0x7F800000> : vector<1000xf32>
    %reduce_min3A_341 = vector.multi_reduction <minimumf>, %sub3A_339, %reduce_min3A_340 [0] : vector<1024x1000xf32> to vector<1000xf32>
    %broadcast_in_dim3A_342 = vector.shape_cast %reduce_min3A_341 : vector<1000xf32> to vector<1x1000xf32>
    %eq3A_343 = vector.broadcast %broadcast_in_dim3A_342 : vector<1x1000xf32> to vector<1024x1000xf32>
    %eq3A_344 = arith.cmpf oeq, %sub3A_339, %eq3A_343 : vector<1024x1000xf32>
    %jit3A_345 = arith.constant 1024 : i32
    %broadcast_in_dim3A_346 = vector.broadcast %jit3A_345 : i32 to vector<1024x1000xi32>
    %select_n3A_347 = arith.select %eq3A_344, %iota3A, %broadcast_in_dim3A_346 : vector<1024x1000xi1>, vector<1024x1000xi32>
    %reduce_min3A_348 = arith.constant dense<2147483647> : vector<1000xi32>
    %reduce_min3A_349 = vector.multi_reduction <minsi>, %select_n3A_347, %reduce_min3A_348 [0] : vector<1024x1000xi32> to vector<1000xi32>
    %mul3A_350 = arith.constant 1024 : i32
    %mul3A_351 = arith.muli %arg0, %mul3A_350 : i32
    %add3A_352 = vector.broadcast %mul3A_351 : i32 to vector<1000xi32>
    %add3A_353 = arith.addi %reduce_min3A_349, %add3A_352 : vector<1000xi32>
    %swap3A_354 = arith.constant 0 : index
    %swap3A_355 = arith.constant 10 : index
    %swap3A_356 = arith.constant 0 : index
    %swap3A_357 = vector.load %arg3[%swap3A_354, %swap3A_355, %swap3A_356] : memref<1x16x1000xi32, #tpu.memory_space<vmem>>, vector<1x1x1000xi32>
    %swap3A_358 = vector.shape_cast %swap3A_357 : vector<1x1x1000xi32> to vector<1000xi32>
    %swap3A_359 = vector.shape_cast %add3A_353 : vector<1000xi32> to vector<1x1x1000xi32>
    tpu.vector_store %arg3[%swap3A_354, %swap3A_355, %swap3A_356], %swap3A_359 {strides = array<i32>} : memref<1x16x1000xi32, #tpu.memory_space<vmem>>, vector<1x1x1000xi32>,
    %get3A_360 = arith.constant 11 : index
    %get3A_361 = arith.constant 0 : index
    %get3A_362 = arith.constant 0 : index
    %get3A_363 = arith.constant 0 : index
    %get3A_364 = vector.load %arg1[%get3A_360, %get3A_361, %get3A_362, %get3A_363] : memref<16x1x64x1000xf32, #tpu.memory_space<vmem>>, vector<1x1x64x1000xf32>
    %get3A_365 = vector.shape_cast %get3A_364 : vector<1x1x64x1000xf32> to vector<64x1000xf32>
    %dot_general3A_366 = arith.constant dense<0.000000e+00> : vector<1024x1000xf32>
    %dot_general3A_367 = tpu.matmul %get3A_3, %get3A_365, %dot_general3A_366 {dimension_numbers = #tpu.dot_dimension_numbers<[1], [0], [0], [1], [0, 0, 1, 1], [], []>, transpose_lhs_hint = false} : vector<1024x64xf32>, vector<64x1000xf32>, vector<1024x1000xf32> -> vector<1024x1000xf32>
    %mul3A_368 = arith.constant 2.000000e+00 : f32
    %mul3A_369 = vector.broadcast %mul3A_368 : f32 to vector<1024x1000xf32>
    %mul3A_370 = arith.mulf %mul3A_369, %dot_general3A_367 : vector<1024x1000xf32>
    %sub3A_371 = vector.broadcast %broadcast_in_dim3A : vector<1024x1xf32> to vector<1024x1000xf32>
    %sub3A_372 = arith.subf %sub3A_371, %mul3A_370 : vector<1024x1000xf32>
    %reduce_min3A_373 = arith.constant dense<0x7F800000> : vector<1000xf32>
    %reduce_min3A_374 = vector.multi_reduction <minimumf>, %sub3A_372, %reduce_min3A_373 [0] : vector<1024x1000xf32> to vector<1000xf32>
    %broadcast_in_dim3A_375 = vector.shape_cast %reduce_min3A_374 : vector<1000xf32> to vector<1x1000xf32>
    %eq3A_376 = vector.broadcast %broadcast_in_dim3A_375 : vector<1x1000xf32> to vector<1024x1000xf32>
    %eq3A_377 = arith.cmpf oeq, %sub3A_372, %eq3A_376 : vector<1024x1000xf32>
    %jit3A_378 = arith.constant 1024 : i32
    %broadcast_in_dim3A_379 = vector.broadcast %jit3A_378 : i32 to vector<1024x1000xi32>
    %select_n3A_380 = arith.select %eq3A_377, %iota3A, %broadcast_in_dim3A_379 : vector<1024x1000xi1>, vector<1024x1000xi32>
    %reduce_min3A_381 = arith.constant dense<2147483647> : vector<1000xi32>
    %reduce_min3A_382 = vector.multi_reduction <minsi>, %select_n3A_380, %reduce_min3A_381 [0] : vector<1024x1000xi32> to vector<1000xi32>
    %mul3A_383 = arith.constant 1024 : i32
    %mul3A_384 = arith.muli %arg0, %mul3A_383 : i32
    %add3A_385 = vector.broadcast %mul3A_384 : i32 to vector<1000xi32>
    %add3A_386 = arith.addi %reduce_min3A_382, %add3A_385 : vector<1000xi32>
    %swap3A_387 = arith.constant 0 : index
    %swap3A_388 = arith.constant 11 : index
    %swap3A_389 = arith.constant 0 : index
    %swap3A_390 = vector.load %arg3[%swap3A_387, %swap3A_388, %swap3A_389] : memref<1x16x1000xi32, #tpu.memory_space<vmem>>, vector<1x1x1000xi32>
    %swap3A_391 = vector.shape_cast %swap3A_390 : vector<1x1x1000xi32> to vector<1000xi32>
    %swap3A_392 = vector.shape_cast %add3A_386 : vector<1000xi32> to vector<1x1x1000xi32>
    tpu.vector_store %arg3[%swap3A_387, %swap3A_388, %swap3A_389], %swap3A_392 {strides = array<i32>} : memref<1x16x1000xi32, #tpu.memory_space<vmem>>, vector<1x1x1000xi32>,
    %get3A_393 = arith.constant 12 : index
    %get3A_394 = arith.constant 0 : index
    %get3A_395 = arith.constant 0 : index
    %get3A_396 = arith.constant 0 : index
    %get3A_397 = vector.load %arg1[%get3A_393, %get3A_394, %get3A_395, %get3A_396] : memref<16x1x64x1000xf32, #tpu.memory_space<vmem>>, vector<1x1x64x1000xf32>
    %get3A_398 = vector.shape_cast %get3A_397 : vector<1x1x64x1000xf32> to vector<64x1000xf32>
    %dot_general3A_399 = arith.constant dense<0.000000e+00> : vector<1024x1000xf32>
    %dot_general3A_400 = tpu.matmul %get3A_3, %get3A_398, %dot_general3A_399 {dimension_numbers = #tpu.dot_dimension_numbers<[1], [0], [0], [1], [0, 0, 1, 1], [], []>, transpose_lhs_hint = false} : vector<1024x64xf32>, vector<64x1000xf32>, vector<1024x1000xf32> -> vector<1024x1000xf32>
    %mul3A_401 = arith.constant 2.000000e+00 : f32
    %mul3A_402 = vector.broadcast %mul3A_401 : f32 to vector<1024x1000xf32>
    %mul3A_403 = arith.mulf %mul3A_402, %dot_general3A_400 : vector<1024x1000xf32>
    %sub3A_404 = vector.broadcast %broadcast_in_dim3A : vector<1024x1xf32> to vector<1024x1000xf32>
    %sub3A_405 = arith.subf %sub3A_404, %mul3A_403 : vector<1024x1000xf32>
    %reduce_min3A_406 = arith.constant dense<0x7F800000> : vector<1000xf32>
    %reduce_min3A_407 = vector.multi_reduction <minimumf>, %sub3A_405, %reduce_min3A_406 [0] : vector<1024x1000xf32> to vector<1000xf32>
    %broadcast_in_dim3A_408 = vector.shape_cast %reduce_min3A_407 : vector<1000xf32> to vector<1x1000xf32>
    %eq3A_409 = vector.broadcast %broadcast_in_dim3A_408 : vector<1x1000xf32> to vector<1024x1000xf32>
    %eq3A_410 = arith.cmpf oeq, %sub3A_405, %eq3A_409 : vector<1024x1000xf32>
    %jit3A_411 = arith.constant 1024 : i32
    %broadcast_in_dim3A_412 = vector.broadcast %jit3A_411 : i32 to vector<1024x1000xi32>
    %select_n3A_413 = arith.select %eq3A_410, %iota3A, %broadcast_in_dim3A_412 : vector<1024x1000xi1>, vector<1024x1000xi32>
    %reduce_min3A_414 = arith.constant dense<2147483647> : vector<1000xi32>
    %reduce_min3A_415 = vector.multi_reduction <minsi>, %select_n3A_413, %reduce_min3A_414 [0] : vector<1024x1000xi32> to vector<1000xi32>
    %mul3A_416 = arith.constant 1024 : i32
    %mul3A_417 = arith.muli %arg0, %mul3A_416 : i32
    %add3A_418 = vector.broadcast %mul3A_417 : i32 to vector<1000xi32>
    %add3A_419 = arith.addi %reduce_min3A_415, %add3A_418 : vector<1000xi32>
    %swap3A_420 = arith.constant 0 : index
    %swap3A_421 = arith.constant 12 : index
    %swap3A_422 = arith.constant 0 : index
    %swap3A_423 = vector.load %arg3[%swap3A_420, %swap3A_421, %swap3A_422] : memref<1x16x1000xi32, #tpu.memory_space<vmem>>, vector<1x1x1000xi32>
    %swap3A_424 = vector.shape_cast %swap3A_423 : vector<1x1x1000xi32> to vector<1000xi32>
    %swap3A_425 = vector.shape_cast %add3A_419 : vector<1000xi32> to vector<1x1x1000xi32>
    tpu.vector_store %arg3[%swap3A_420, %swap3A_421, %swap3A_422], %swap3A_425 {strides = array<i32>} : memref<1x16x1000xi32, #tpu.memory_space<vmem>>, vector<1x1x1000xi32>,
    %get3A_426 = arith.constant 13 : index
    %get3A_427 = arith.constant 0 : index
    %get3A_428 = arith.constant 0 : index
    %get3A_429 = arith.constant 0 : index
    %get3A_430 = vector.load %arg1[%get3A_426, %get3A_427, %get3A_428, %get3A_429] : memref<16x1x64x1000xf32, #tpu.memory_space<vmem>>, vector<1x1x64x1000xf32>
    %get3A_431 = vector.shape_cast %get3A_430 : vector<1x1x64x1000xf32> to vector<64x1000xf32>
    %dot_general3A_432 = arith.constant dense<0.000000e+00> : vector<1024x1000xf32>
    %dot_general3A_433 = tpu.matmul %get3A_3, %get3A_431, %dot_general3A_432 {dimension_numbers = #tpu.dot_dimension_numbers<[1], [0], [0], [1], [0, 0, 1, 1], [], []>, transpose_lhs_hint = false} : vector<1024x64xf32>, vector<64x1000xf32>, vector<1024x1000xf32> -> vector<1024x1000xf32>
    %mul3A_434 = arith.constant 2.000000e+00 : f32
    %mul3A_435 = vector.broadcast %mul3A_434 : f32 to vector<1024x1000xf32>
    %mul3A_436 = arith.mulf %mul3A_435, %dot_general3A_433 : vector<1024x1000xf32>
    %sub3A_437 = vector.broadcast %broadcast_in_dim3A : vector<1024x1xf32> to vector<1024x1000xf32>
    %sub3A_438 = arith.subf %sub3A_437, %mul3A_436 : vector<1024x1000xf32>
    %reduce_min3A_439 = arith.constant dense<0x7F800000> : vector<1000xf32>
    %reduce_min3A_440 = vector.multi_reduction <minimumf>, %sub3A_438, %reduce_min3A_439 [0] : vector<1024x1000xf32> to vector<1000xf32>
    %broadcast_in_dim3A_441 = vector.shape_cast %reduce_min3A_440 : vector<1000xf32> to vector<1x1000xf32>
    %eq3A_442 = vector.broadcast %broadcast_in_dim3A_441 : vector<1x1000xf32> to vector<1024x1000xf32>
    %eq3A_443 = arith.cmpf oeq, %sub3A_438, %eq3A_442 : vector<1024x1000xf32>
    %jit3A_444 = arith.constant 1024 : i32
    %broadcast_in_dim3A_445 = vector.broadcast %jit3A_444 : i32 to vector<1024x1000xi32>
    %select_n3A_446 = arith.select %eq3A_443, %iota3A, %broadcast_in_dim3A_445 : vector<1024x1000xi1>, vector<1024x1000xi32>
    %reduce_min3A_447 = arith.constant dense<2147483647> : vector<1000xi32>
    %reduce_min3A_448 = vector.multi_reduction <minsi>, %select_n3A_446, %reduce_min3A_447 [0] : vector<1024x1000xi32> to vector<1000xi32>
    %mul3A_449 = arith.constant 1024 : i32
    %mul3A_450 = arith.muli %arg0, %mul3A_449 : i32
    %add3A_451 = vector.broadcast %mul3A_450 : i32 to vector<1000xi32>
    %add3A_452 = arith.addi %reduce_min3A_448, %add3A_451 : vector<1000xi32>
    %swap3A_453 = arith.constant 0 : index
    %swap3A_454 = arith.constant 13 : index
    %swap3A_455 = arith.constant 0 : index
    %swap3A_456 = vector.load %arg3[%swap3A_453, %swap3A_454, %swap3A_455] : memref<1x16x1000xi32, #tpu.memory_space<vmem>>, vector<1x1x1000xi32>
    %swap3A_457 = vector.shape_cast %swap3A_456 : vector<1x1x1000xi32> to vector<1000xi32>
    %swap3A_458 = vector.shape_cast %add3A_452 : vector<1000xi32> to vector<1x1x1000xi32>
    tpu.vector_store %arg3[%swap3A_453, %swap3A_454, %swap3A_455], %swap3A_458 {strides = array<i32>} : memref<1x16x1000xi32, #tpu.memory_space<vmem>>, vector<1x1x1000xi32>,
    %get3A_459 = arith.constant 14 : index
    %get3A_460 = arith.constant 0 : index
    %get3A_461 = arith.constant 0 : index
    %get3A_462 = arith.constant 0 : index
    %get3A_463 = vector.load %arg1[%get3A_459, %get3A_460, %get3A_461, %get3A_462] : memref<16x1x64x1000xf32, #tpu.memory_space<vmem>>, vector<1x1x64x1000xf32>
    %get3A_464 = vector.shape_cast %get3A_463 : vector<1x1x64x1000xf32> to vector<64x1000xf32>
    %dot_general3A_465 = arith.constant dense<0.000000e+00> : vector<1024x1000xf32>
    %dot_general3A_466 = tpu.matmul %get3A_3, %get3A_464, %dot_general3A_465 {dimension_numbers = #tpu.dot_dimension_numbers<[1], [0], [0], [1], [0, 0, 1, 1], [], []>, transpose_lhs_hint = false} : vector<1024x64xf32>, vector<64x1000xf32>, vector<1024x1000xf32> -> vector<1024x1000xf32>
    %mul3A_467 = arith.constant 2.000000e+00 : f32
    %mul3A_468 = vector.broadcast %mul3A_467 : f32 to vector<1024x1000xf32>
    %mul3A_469 = arith.mulf %mul3A_468, %dot_general3A_466 : vector<1024x1000xf32>
    %sub3A_470 = vector.broadcast %broadcast_in_dim3A : vector<1024x1xf32> to vector<1024x1000xf32>
    %sub3A_471 = arith.subf %sub3A_470, %mul3A_469 : vector<1024x1000xf32>
    %reduce_min3A_472 = arith.constant dense<0x7F800000> : vector<1000xf32>
    %reduce_min3A_473 = vector.multi_reduction <minimumf>, %sub3A_471, %reduce_min3A_472 [0] : vector<1024x1000xf32> to vector<1000xf32>
    %broadcast_in_dim3A_474 = vector.shape_cast %reduce_min3A_473 : vector<1000xf32> to vector<1x1000xf32>
    %eq3A_475 = vector.broadcast %broadcast_in_dim3A_474 : vector<1x1000xf32> to vector<1024x1000xf32>
    %eq3A_476 = arith.cmpf oeq, %sub3A_471, %eq3A_475 : vector<1024x1000xf32>
    %jit3A_477 = arith.constant 1024 : i32
    %broadcast_in_dim3A_478 = vector.broadcast %jit3A_477 : i32 to vector<1024x1000xi32>
    %select_n3A_479 = arith.select %eq3A_476, %iota3A, %broadcast_in_dim3A_478 : vector<1024x1000xi1>, vector<1024x1000xi32>
    %reduce_min3A_480 = arith.constant dense<2147483647> : vector<1000xi32>
    %reduce_min3A_481 = vector.multi_reduction <minsi>, %select_n3A_479, %reduce_min3A_480 [0] : vector<1024x1000xi32> to vector<1000xi32>
    %mul3A_482 = arith.constant 1024 : i32
    %mul3A_483 = arith.muli %arg0, %mul3A_482 : i32
    %add3A_484 = vector.broadcast %mul3A_483 : i32 to vector<1000xi32>
    %add3A_485 = arith.addi %reduce_min3A_481, %add3A_484 : vector<1000xi32>
    %swap3A_486 = arith.constant 0 : index
    %swap3A_487 = arith.constant 14 : index
    %swap3A_488 = arith.constant 0 : index
    %swap3A_489 = vector.load %arg3[%swap3A_486, %swap3A_487, %swap3A_488] : memref<1x16x1000xi32, #tpu.memory_space<vmem>>, vector<1x1x1000xi32>
    %swap3A_490 = vector.shape_cast %swap3A_489 : vector<1x1x1000xi32> to vector<1000xi32>
    %swap3A_491 = vector.shape_cast %add3A_485 : vector<1000xi32> to vector<1x1x1000xi32>
    tpu.vector_store %arg3[%swap3A_486, %swap3A_487, %swap3A_488], %swap3A_491 {strides = array<i32>} : memref<1x16x1000xi32, #tpu.memory_space<vmem>>, vector<1x1x1000xi32>,
    %get3A_492 = arith.constant 15 : index
    %get3A_493 = arith.constant 0 : index
    %get3A_494 = arith.constant 0 : index
    %get3A_495 = arith.constant 0 : index
    %get3A_496 = vector.load %arg1[%get3A_492, %get3A_493, %get3A_494, %get3A_495] : memref<16x1x64x1000xf32, #tpu.memory_space<vmem>>, vector<1x1x64x1000xf32>
    %get3A_497 = vector.shape_cast %get3A_496 : vector<1x1x64x1000xf32> to vector<64x1000xf32>
    %dot_general3A_498 = arith.constant dense<0.000000e+00> : vector<1024x1000xf32>
    %dot_general3A_499 = tpu.matmul %get3A_3, %get3A_497, %dot_general3A_498 {dimension_numbers = #tpu.dot_dimension_numbers<[1], [0], [0], [1], [0, 0, 1, 1], [], []>, transpose_lhs_hint = false} : vector<1024x64xf32>, vector<64x1000xf32>, vector<1024x1000xf32> -> vector<1024x1000xf32>
    %mul3A_500 = arith.constant 2.000000e+00 : f32
    %mul3A_501 = vector.broadcast %mul3A_500 : f32 to vector<1024x1000xf32>
    %mul3A_502 = arith.mulf %mul3A_501, %dot_general3A_499 : vector<1024x1000xf32>
    %sub3A_503 = vector.broadcast %broadcast_in_dim3A : vector<1024x1xf32> to vector<1024x1000xf32>
    %sub3A_504 = arith.subf %sub3A_503, %mul3A_502 : vector<1024x1000xf32>
    %reduce_min3A_505 = arith.constant dense<0x7F800000> : vector<1000xf32>
    %reduce_min3A_506 = vector.multi_reduction <minimumf>, %sub3A_504, %reduce_min3A_505 [0] : vector<1024x1000xf32> to vector<1000xf32>
    %broadcast_in_dim3A_507 = vector.shape_cast %reduce_min3A_506 : vector<1000xf32> to vector<1x1000xf32>
    %eq3A_508 = vector.broadcast %broadcast_in_dim3A_507 : vector<1x1000xf32> to vector<1024x1000xf32>
    %eq3A_509 = arith.cmpf oeq, %sub3A_504, %eq3A_508 : vector<1024x1000xf32>
    %jit3A_510 = arith.constant 1024 : i32
    %broadcast_in_dim3A_511 = vector.broadcast %jit3A_510 : i32 to vector<1024x1000xi32>
    %select_n3A_512 = arith.select %eq3A_509, %iota3A, %broadcast_in_dim3A_511 : vector<1024x1000xi1>, vector<1024x1000xi32>
    %reduce_min3A_513 = arith.constant dense<2147483647> : vector<1000xi32>
    %reduce_min3A_514 = vector.multi_reduction <minsi>, %select_n3A_512, %reduce_min3A_513 [0] : vector<1024x1000xi32> to vector<1000xi32>
    %mul3A_515 = arith.constant 1024 : i32
    %mul3A_516 = arith.muli %arg0, %mul3A_515 : i32
    %add3A_517 = vector.broadcast %mul3A_516 : i32 to vector<1000xi32>
    %add3A_518 = arith.addi %reduce_min3A_514, %add3A_517 : vector<1000xi32>
    %swap3A_519 = arith.constant 0 : index
    %swap3A_520 = arith.constant 15 : index
    %swap3A_521 = arith.constant 0 : index
    %swap3A_522 = vector.load %arg3[%swap3A_519, %swap3A_520, %swap3A_521] : memref<1x16x1000xi32, #tpu.memory_space<vmem>>, vector<1x1x1000xi32>
    %swap3A_523 = vector.shape_cast %swap3A_522 : vector<1x1x1000xi32> to vector<1000xi32>
    %swap3A_524 = vector.shape_cast %add3A_518 : vector<1000xi32> to vector<1x1x1000xi32>
    tpu.vector_store %arg3[%swap3A_519, %swap3A_520, %swap3A_521], %swap3A_524 {strides = array<i32>} : memref<1x16x1000xi32, #tpu.memory_space<vmem>>, vector<1x1x1000xi32>,
    return
  }
  func.func @transform_0(%arg0: i32) -> (i32, i32, i32, i32) {
    %c0_i32 = arith.constant 0 : i32
    %c0_i32_0 = arith.constant 0 : i32
    %c0_i32_1 = arith.constant 0 : i32
    %c0_i32_2 = arith.constant 0 : i32
    return %c0_i32, %arg0, %c0_i32_0, %c0_i32_1 : i32, i32, i32, i32
  }
  func.func @transform_1(%arg0: i32) -> (i32, i32, i32) {
    %c0_i32 = arith.constant 0 : i32
    %c0_i32_0 = arith.constant 0 : i32
    %c0_i32_1 = arith.constant 0 : i32
    return %arg0, %c0_i32, %c0_i32_0 : i32, i32, i32
  }
  func.func @transform_2(%arg0: i32) -> (i32, i32, i32) {
    %c0_i32 = arith.constant 0 : i32
    %c0_i32_0 = arith.constant 0 : i32
    %c0_i32_1 = arith.constant 0 : i32
    return %arg0, %c0_i32, %c0_i32_0 : i32, i32, i32
  }
}

module attributes {stable_mosaic.version = 14 : i64} {
  func.func @_tr_kernel(%arg0: i32, %arg1: i32, %arg2: memref<1x1x1000x64xf32, #tpu.memory_space<vmem>>, %arg3: memref<1x1x64x1000xf32, #tpu.memory_space<vmem>>) attributes {dimension_semantics = [#tpu.dimension_semantics<arbitrary>, #tpu.dimension_semantics<arbitrary>], iteration_bounds = array<i64: 16, 16>, scalar_prefetch = 0 : i64, scratch_operands = 0 : i64, tpu.core_type = #tpu.core_type<tc>, window_params = [{transform_indices = @transform_0, window_bounds = array<i64: 1, 1, 1000, 64>}, {transform_indices = @transform_1, window_bounds = array<i64: 1, 1, 64, 1000>}]} {
    %get3A = arith.constant 0 : index
    %get3A_0 = arith.constant 0 : index
    %get3A_1 = arith.constant 0 : index
    %get3A_2 = arith.constant 0 : index
    %get3A_3 = vector.load %arg2[%get3A, %get3A_0, %get3A_1, %get3A_2] : memref<1x1x1000x64xf32, #tpu.memory_space<vmem>>, vector<1x1x1000x64xf32>
    %get3A_4 = vector.shape_cast %get3A_3 : vector<1x1x1000x64xf32> to vector<1000x64xf32>
    %transpose3A = tpu.transpose %get3A_4, [1, 0] : vector<1000x64xf32> -> vector<64x1000xf32>
    %swap3A = arith.constant 0 : index
    %swap3A_5 = arith.constant 0 : index
    %swap3A_6 = arith.constant 0 : index
    %swap3A_7 = arith.constant 0 : index
    %swap3A_8 = vector.load %arg3[%swap3A, %swap3A_5, %swap3A_6, %swap3A_7] : memref<1x1x64x1000xf32, #tpu.memory_space<vmem>>, vector<1x1x64x1000xf32>
    %swap3A_9 = vector.shape_cast %swap3A_8 : vector<1x1x64x1000xf32> to vector<64x1000xf32>
    %swap3A_10 = vector.shape_cast %transpose3A : vector<64x1000xf32> to vector<1x1x64x1000xf32>
    tpu.vector_store %arg3[%swap3A, %swap3A_5, %swap3A_6, %swap3A_7], %swap3A_10 {strides = array<i32>} : memref<1x1x64x1000xf32, #tpu.memory_space<vmem>>, vector<1x1x64x1000xf32>,
    return
  }
  func.func @transform_0(%arg0: i32, %arg1: i32) -> (i32, i32, i32, i32) {
    %c0_i32 = arith.constant 0 : i32
    %c0_i32_0 = arith.constant 0 : i32
    %c0_i32_1 = arith.constant 0 : i32
    return %arg0, %arg1, %c0_i32, %c0_i32_0 : i32, i32, i32, i32
  }
  func.func @transform_1(%arg0: i32, %arg1: i32) -> (i32, i32, i32, i32) {
    %c0_i32 = arith.constant 0 : i32
    %c0_i32_0 = arith.constant 0 : i32
    %c0_i32_1 = arith.constant 0 : i32
    return %arg1, %arg0, %c0_i32, %c0_i32_0 : i32, i32, i32, i32
  }
}

</mosaic_0001>

<sc_bundles>
// kernel: kernel.5.cloned.1.call-start
scs
__scs_entry_jumppad:
0x0: {  	(pc) =	sbr.rel $0x88, $3  }
0x1: {  	(tag) =	ssettag $0x0;
	lr =	simm.s32 $0x1  }
0x2: {  	[smem:$0x3F9F] =	sst lr;
	_ =	strace $0xD0000000  }
0x3: {  	_ = 	snop  }
0x4: {  	_ = 	snop  }
0x5: {  	_ = 	snop  }
0x6: {  	_ = 	snop  }
0x7: {  	_ = 	snop  }
__scs_overlays_trampoline_lowered:
0x8: {  	[smem:$0x3FAE] =	sst s0  }
0x9: {  	[smem:$0x3FAF] =	sst s1  }
0xa: {  	[smem:$0x3FB0] =	sst s2  }
0xb: {  	[smem:$0x3FB1] =	sst s3  }
0xc: {  	[smem:$0x3FB2] =	sst s4  }
0xd: {  	[smem:$0x3FB3] =	sst s5  }
0xe: {  	[smem:$0x3FB4] =	sst s6  }
0xf: {  	[smem:$0x3FB5] =	sst s7  }
0x10: {  	[smem:$0x3FB6] =	sst s8  }
0x11: {  	[smem:$0x3FB7] =	sst s9;
	s0 =	simm.s32 @!p0 $0x0  }
0x12: {  	s1 =	sld [smem:$0x3F9D];
	s0 =	simm.s32 @p0 $0x1  }
0x13: {  	[smem:$0x3FB8] =	sst s0;
	s0 =	simm.s32 @!p1 $0x0  }
0x14: {  	s2 =	sld [smem:$0x3F9C];
	s0 =	simm.s32 @p1 $0x1  }
0x15: {  	[smem:$0x3FB9] =	sst s0;
	s0 =	simm.s32 @!p2 $0x0  }
0x16: {  	s3 =	sld [smem:$0x3FDB];
	s0 =	simm.s32 @p2 $0x1  }
0x17: {  	s4 =	simm.s32 $0x1BF5;
	[smem:$0x3FBB] =	sst s0  }
0x18: {  	s0 =	sld [smem:$0x3F9E];
	_ =	swait.ge [sflag:s4], $0x0  }
0x19: {  	s7 =	sld [smem:$0x3F9F]  }
0x1a: {  	s8 =	sadd.s32 $0xFFFFE003, lr  }
0x1b: {  	s9 =	sadd.s32 $0xFFFFFEF7, lr;
	s5 =	simm.s32 $0xFFFFFFFF;
	p2 =	slt.u32 s8, $0xFFFFF086  }
0x1c: {  	p1 =	slt.u32 s9, $0xF7A;
	s5 =	simm.s32 @!p2 $0x0  }
0x1d: {  	s5 =	simm.s32 @p1 $0x1;
	p0 =	seq.s32 s7, s2  }
0x1e: {  	s7 =	smul.u32 @!p0 $0xF7A, s2;
	p2 =	seq.s32 @!p0 s5, $0x0  }
0x1f: {  	s9 =	smul.u32 $0xF7A, s1;
	s8 =	simm.s32 @!p0 $0x1BF5;
	p2 =	por !p2, p0  }
0x20: {  	[sflag:s8] =	ssyncset.s32 @!p0 $0xFFFFF086;
	s6 =	sadd.s32 @!p0 s3, s7;
	s7 =	simm.s32 @!p0 $0x108  }
0x21: {  	s3 =	sadd.s32 s3, s9;
	s6 =	sadd.s32 @!p0 $0x88, s6;
	s7 =	simm.s32 @p2 $0x1082  }
0x22: {  	[simem:s7], [sflag:s8] =	dma.local @!p0 [hbm:s6], $0xF7A  }
0x23: {  	s9 =	sor.u32 $0xD0000000, s2;
	s6 =	simm.s32 $0x108;
	_ =	swait.ge @!p0 [sflag:s8], $0x0  }
0x24: {  	s3 =	sadd.s32 $0x88, s3;
	s6 =	simm.s32 @!p1 $0x1082;
	[sflag:s4] =	ssyncset.s32 $0xFFFFF086  }
0x25: {  	[simem:s6], [sflag:s4] =	dma.local [hbm:s3], $0xF7A  }
0x26: {  	[smem:$0x3F9F] =	sst s1;
	(tag) =	ssettag s2;
	_ =	strace s9  }
0x27: {  	s1 =	sld [smem:$0x3FAF]  }
0x28: {  	s2 =	sld [smem:$0x3FB0]  }
0x29: {  	s4 =	sld [smem:$0x3FB2]  }
0x2a: {  	p0 =	seq.s32 s5, $0x0;
	s5 =	sld [smem:$0x3FB3]  }
0x2b: {  	s6 =	sld [smem:$0x3FB4]  }
0x2c: {  	s7 =	sld [smem:$0x3FB5]  }
0x2d: {  	s3 =	simm.s32 $0x108;
	s8 =	sld [smem:$0x3FB6]  }
0x2e: {  	s3 =	simm.s32 @!p0 $0x1082;
	s9 =	sld [smem:$0x3FB7]  }
0x2f: {  	lr =	sadd.s32 s0, s3;
	s0 =	sld [smem:$0x3FAE]  }
0x30: {  	s3 =	sld [smem:$0x3FB1]  }
0x31: {  	[smem:$0x3FBA] =	sst s10  }
0x32: {  	s10 =	sld [smem:$0x3FB8];
	_ =	sdelay $0x3  }
0x33: {  	p0 =	seq.s32 s10, $0x1;
	s10 =	sld [smem:$0x3FBA];
	_ =	sdelay $0x3  }
0x34: {  	[smem:$0x3FBA] =	sst s10  }
0x35: {  	s10 =	sld [smem:$0x3FB9];
	_ =	sdelay $0x3  }
0x36: {  	p1 =	seq.s32 s10, $0x1;
	s10 =	sld [smem:$0x3FBA];
	_ =	sdelay $0x3  }
0x37: {  	[smem:$0x3FBA] =	sst s10  }
0x38: {  	s10 =	sld [smem:$0x3FBB]  }
0x39: {  	_ = 	snop;
	(pc) =	sbr.ind lr, $3  }
0x3a: {  	_ = 	snop  }
0x3b: {  	_ = 	snop  }
0x3c: {  	p2 =	seq.s32 s10, $0x1;
	s10 =	sld [smem:$0x3FBA]  }
0x3d: {  	_ =	shalt  }
0x3e: {  	_ =	shalt  }
0x3f: {  	_ =	shalt  }
0x40: {  	_ =	shalt  }
0x41: {  	_ =	shalt  }
0x42: {  	_ =	shalt  }
0x43: {  	_ =	shalt  }
0x44: {  	_ =	shalt  }
0x45: {  	_ =	shalt  }
0x46: {  	_ =	shalt  }
0x47: {  	_ =	shalt  }
0x48: {  	_ =	shalt  }
0x49: {  	_ =	shalt  }
0x4a: {  	_ =	shalt  }
0x4b: {  	_ =	shalt  }
0x4c: {  	_ =	shalt  }
0x4d: {  	_ =	shalt  }
0x4e: {  	_ =	shalt  }
0x4f: {  	_ =	shalt  }
0x50: {  	_ =	shalt  }
0x51: {  	_ =	shalt  }
0x52: {  	_ =	shalt  }
0x53: {  	_ =	shalt  }
0x54: {  	_ =	shalt  }
0x55: {  	_ =	shalt  }
0x56: {  	_ =	shalt  }
0x57: {  	_ =	shalt  }
0x58: {  	_ =	shalt  }
0x59: {  	_ =	shalt  }
0x5a: {  	_ =	shalt  }
0x5b: {  	_ =	shalt  }
0x5c: {  	_ =	shalt  }
0x5d: {  	_ =	shalt  }
0x5e: {  	_ =	shalt  }
0x5f: {  	_ =	shalt  }
0x60: {  	_ =	shalt  }
0x61: {  	_ =	shalt  }
0x62: {  	_ =	shalt  }
0x63: {  	_ =	shalt  }
0x64: {  	_ =	shalt  }
0x65: {  	_ =	shalt  }
0x66: {  	_ =	shalt  }
0x67: {  	_ =	shalt  }
0x68: {  	_ =	shalt  }
0x69: {  	_ =	shalt  }
0x6a: {  	_ =	shalt  }
0x6b: {  	_ =	shalt  }
0x6c: {  	_ =	shalt  }
0x6d: {  	_ =	shalt  }
0x6e: {  	_ =	shalt  }
0x6f: {  	_ =	shalt  }
0x70: {  	_ =	shalt  }
0x71: {  	_ =	shalt  }
0x72: {  	_ =	shalt  }
0x73: {  	_ =	shalt  }
0x74: {  	_ =	shalt  }
0x75: {  	_ =	shalt  }
0x76: {  	_ =	shalt  }
0x77: {  	_ =	shalt  }
0x78: {  	_ =	shalt  }
0x79: {  	_ =	shalt  }
0x7a: {  	_ =	shalt  }
0x7b: {  	_ =	shalt  }
0x7c: {  	_ =	shalt  }
0x7d: {  	_ =	shalt  }
0x7e: {  	_ =	shalt  }
0x7f: {  	_ =	shalt  }
0x80: {  	_ =	shalt  }
0x81: {  	_ =	shalt  }
0x82: {  	_ =	shalt  }
0x83: {  	_ =	shalt  }
0x84: {  	_ =	shalt  }
0x85: {  	_ =	shalt  }
0x86: {  	_ =	shalt  }
0x87: {  	_ =	shalt  }
.Lfunc_end0:
.L_simem_size_0:
called_computation_lowered:
.L_overlay_start_0:
0x88: {  	s2 =	sld [smem:$0x3FD9]  }
0x89: {  	s3 =	sld [smem:$0x3FFE];
	_ =	sdelay $0x1  }
0x8a: {  	s1 =	srdreg.scid  }
0x8b: {  	s0 =	sand.u32 $0x1, s1  }
0x8c: {  	s17 =	sshll.u32 s0, $0xA;
	s2 =	sadd.s32 s3, s2  }
0x8d: {  	s2 =	sadd.s32 s2, s17  }
0x8e: {  	[smem:$0x3FC6] =	sst s2  }
0x8f: {  	_ = 	snop  }
0x90: {  	s2 =	sld [smem:$0x3FD0];
	(tm) =	ssettm $0x1  }
0x91: {  	s18 =	sld [smem:$0x3FFB];
	_ =	sdelay $0x3  }
0x92: {  	_ =	strace s18  }
0x93: {  	s3 =	sld [smem:$0x3FFC];
	_ =	sdelay $0x3  }
0x94: {  	_ =	strace s3  }
0x95: {  	s3 =	sld [smem:$0x3FFD];
	_ =	sdelay $0x3  }
0x96: {  	_ =	strace s3  }
0x97: {  	_ =	strace $0x8FFFFFFF  }
0x98: {  	s19 =	sld [smem:$0x3FDB];
	_ =	sdelay $0x1  }
0x99: {  	s4 =	simm.s32 $_scs_section_size  }
0x9a: {  	s5 =	simm.s32 $_size__tile_overlayer_lowered;
	s6 =	simm.s32 $_tile_overlayer_lowered  }
0x9b: {  	s22 =	simm.s32 $0x1BFF;
	s21 =	sshll.u32 s6, $0x1;
	s3 =	sadd.s32 s4, s19  }
0x9c: {  	s7 =	simm.s32 $0x0;
	s20 =	sshll.u32 s5, $0x1;
	s5 =	sadd.s32 s21, s3  }
0x9d: {  	[timem:s7], [sflag:s22] =	dma.local [hbm:s5], s20  }
0x9e: {  	_ =	swait.ge [sflag:s22], s20  }
0x9f: {  	s4 =	ssub.s32 $0x0, s20;
	[sflag:s22] =	ssyncset.done $0x0  }
0xa0: {  	[sflag:s22] =	ssyncadd.s32 s4;
	_ =	sdelay $0x1  }
0xa1: {  	s23 =	simm.s32 $0x1B8B  }
0xa2: {  	_ =	swait.ge [sflag:s23], $0x1  }
0xa3: {  	[sflag:s23] =	ssyncset.done $0x0  }
0xa4: {  	s25 =	simm.s32 $0x1B8E;
	s24 =	sld [smem:$0x3FFE];
	[sflag:s23] =	ssyncadd.s32 $0xFFFFFFFF  }
0xa5: {  	s26 =	simm.s32 $execute0_lowered;
	[smem:$0x3FD2] =	sst s25  }
0xa6: {  	s5 =	sshll.u32 s26, $0x1;
	_ =	strace $0x80000046;
	[dreg:$0x1] =	wrdreg $0xFFFFFFFF  }
0xa7: {  	s28 =	simm.s32 $_size_execute0_lowered;
	s3 =	sadd.s32 s3, s5;
	[dreg:$0x0] =	wrdreg $0x0  }
0xa8: {  	s5 =	sshll.u32 s28, $0x1;
	[dreg:$0x2] =	wrdreg s3  }
0xa9: {  	[dreg:$0x3] =	wrdreg s5  }
0xaa: {  	[dreg:$0x4] =	wrdreg $0xC0  }
0xab: {  	_ =	task [dreg:s7], $0x5FFFF  }
0xac: {  	[dreg:$0x1] =	wrdreg $0xFFFFFFFF  }
0xad: {  	[dreg:$0x0] =	wrdreg $0x60  }
0xae: {  	[dreg:$0x2] =	wrdreg s24  }
0xaf: {  	[dreg:$0x3] =	wrdreg s2  }
0xb0: {  	[dreg:$0x4] =	wrdreg $0x9  }
0xb1: {  	_ =	task.clear_ibuf [dreg:s7], $0x5FFFF;
	_ =	strace $0x90000046  }
0xb2: {  	s29 =	simm.s32 $0x9;
	_ =	strace $0x80000048  }
0xb3: {  	_ =	swait.ge [sflag:s29], $0x1  }
0xb4: {  	[sflag:s29] =	ssyncadd.s32 $0xFFFFFFFF  }
0xb5: {  	_ =	strace $0x90000048  }
0xb6: {  	_ =	sfence  }
0xb7: {  	s30 =	sld [smem:$0x0];
	_ =	sdelay $0x2  }
0xb8: {  	s31 =	sshll.u32 s1, $0xD;
	s1 =	sshrl.u32 s1, $0x2  }
0xb9: {  	s3 =	sand.u32 $0x4000, s31;
	s1 =	sadd.s32 s1, s30  }
0xba: {  	s0 =	sor.u32 s3, s0;
	s1 =	sshll.u32 s1, $0x11  }
0xbb: {  	s0 =	sor.u32 s1, s0  }
0xbc: {  	s0 =	sadd.s32 $0x8F2B, s0  }
0xbd: {  	[sflag:s0] =	ssyncadd.remote.s32 $0x1  }
0xbe: {  	_ =	sfence.sel $0xFFFF  }
0xbf: {  	[dreg:$0x0] =	wrdreg $0xFFFFFFFF;
	(pc) =	sbr.abs _section_cstart, $3  }
0xc0: {  	[dreg:$0x1] =	wrdreg $0xFFFFFFFF  }
0xc1: {  	_ =	task.clear_ibuf [dreg:s7], $0x2FFFF;
	_ =	strace $0x9FFFFFFF  }
0xc2: {  	(tm) =	ssettm $0x7FFFFFFF  }
0xc3: {  	_ =	shalt  }
tec
execute0_lowered:
.L_overlay_start_1:
0x0: {  	(tag) =	ssettag $0x1  }
0x1: {  	s4 =	rddreg [dreg:$0x0]  }
0x2: {  	s5 =	rddreg [dreg:$0x1]  }
0x3: {  	s0 =	rddreg [dreg:$0x2];
	s1 =	stileid.u32  }
0x4: {  	s3 =	srdreg.scid;
	s2 =	simm.s32 $0x0;
	s7 =	smul.u32 $0x3E80, s1  }
0x5: {  	s6 =	sand.u32 $0x1, s3;
	[smem:$0x7FF] =	sst s2;
	s10 =	smul.u32 $0x1F400, s1  }
0x6: {  	s3 =	sadd.s32 $0x8200, s4;
	s8 =	smul.u32 $0x1F40, s6;
	s9 =	ssub.s32 $0x2, s6  }
0x7: {  	_ =	strace $0x80000047;
	s6 =	smul.u32 $0xFA00, s6;
	s31 =	sshrl.u32 s9, $0x1  }
0x8: {  	s5 =	sadd.s32 s10, s5;
	s10 =	simm.s32 $0x0;
	s7 =	sadd.s32 s8, s7  }
0x9: {  	s8 =	ssub.s32 s9, s31;
	s5 =	sadd.s32 s6, s5;
	s7 =	sshrl.u32 s7, $0x3  }
0xa: {  	s9 =	simm.s32 $0x1;
	s7 =	sadd.s32 s7, s4;
	s4 =	smax.u32 s8, $0x1  }
0xb: {  	s8 =	simm.s32 $0x50;
	s6 =	sadd.s32 $0x400, s7;
	s7 =	simm.s32 $0x2  }
.LBB2_1:
0xc: {  	s11 =	sadd.s32 $0x0, s6  }
0xd: {  	[tilespmem:s2], [sflag:$0x2] =	stream.linear.gather [hbm4b:s11+s2], $0x50, $0x38;
	[tilespmem:$0x1450] =	vst v63  }
0xe: {  	_ =	swait.ge [sflag:s7], $0x50  }
0xf: {  	[sflag:s7] =	ssyncset.done $0x0  }
0x10: {  	[sflag:s7] =	ssyncadd.s32 $0xFFFFFFB0  }
0x11: {  	[tilespmem:s8], [sflag:$0x1] =	stream.indirect.gather [hbm4b:s3+s8], $0x40, s2, s8, $0xb8;
	[tilespmem:$0x1450] =	vst v63  }
0x12: {  	_ =	swait.ge [sflag:s9], $0x1400  }
0x13: {  	[sflag:s9] =	ssyncset.done $0x0  }
0x14: {  	[sflag:s9] =	ssyncadd.s32 $0xFFFFEC00  }
0x15: {  	[hbm4b:s5+s2] =	stream.linear.scatter [tilespmem:s8], [sflag:$0x2], $0x1400, $0x38;
	[tilespmem:$0x1450] =	vst v63  }
0x16: {  	s12 =	simm.s32 $0xA;
	_ =	swait.ge [sflag:s7], $0x1400  }
0x17: {  	s13 =	simm.s32 $0x14;
	s11 =	sadd.s32 $0x280, s5;
	[sflag:s7] =	ssyncset.done $0x0  }
.LBB2_2:
0x18: {  	s14 =	sadd.s32 s12, s6  }
0x19: {  	[sflag:s7] =	ssyncadd.s32 $0xFFFFEC00;
	s12 =	smov.u32 s13;
	s15 =	sadd.s32 $0xA, s13  }
0x1a: {  	[tilespmem:s2], [sflag:$0x2] =	stream.linear.gather [hbm4b:s14+s2], $0x50, $0x38;
	[tilespmem:$0x1450] =	vst v63  }
0x1b: {  	p0 =	sne.s32 s13, $0x3DE;
	_ =	swait.ge [sflag:s7], $0x50  }
0x1c: {  	[sflag:s7] =	ssyncset.done $0x0  }
0x1d: {  	[sflag:s7] =	ssyncadd.s32 $0xFFFFFFB0  }
0x1e: {  	[tilespmem:s8], [sflag:$0x1] =	stream.indirect.gather [hbm4b:s3+s8], $0x40, s2, s8, $0xb8;
	[tilespmem:$0x1450] =	vst v63  }
0x1f: {  	_ =	swait.ge [sflag:s9], $0x1400  }
.Ltmp0:
0x20: {  	[sflag:s9] =	ssyncset.done $0x0;
	(pc) =	sbr.rel @p0 .LBB2_2-.Ltmp0, $4  }
0x21: {  	[sflag:s9] =	ssyncadd.s32 $0xFFFFEC00  }
0x22: {  	[hbm4b:s11+s2] =	stream.linear.scatter [tilespmem:s8], [sflag:$0x2], $0x1400, $0x38;
	[tilespmem:$0x1450] =	vst v63  }
0x23: {  	_ =	swait.ge [sflag:s7], $0x1400  }
0x24: {  	s13 =	smov.u32 s15;
	s11 =	sadd.s32 $0x280, s11;
	[sflag:s7] =	ssyncset.done $0x0  }
0x25: {  	s12 =	sadd.s32 s12, s6;
	[sflag:s7] =	ssyncadd.s32 $0xFFFFEC00  }
0x26: {  	[tilespmem:s2], [sflag:$0x2] =	stream.linear.gather [hbm4b:s12+s2], $0x50, $0x38;
	[tilespmem:$0x1450] =	vst v63  }
0x27: {  	_ =	swait.ge [sflag:s7], $0x50  }
0x28: {  	[sflag:s7] =	ssyncset.done $0x0  }
0x29: {  	[sflag:s7] =	ssyncadd.s32 $0xFFFFFFB0  }
0x2a: {  	[tilespmem:s8], [sflag:$0x1] =	stream.indirect.gather [hbm4b:s3+s8], $0x40, s2, s8, $0xb8;
	[tilespmem:$0x1450] =	vst v63  }
0x2b: {  	s10 =	sadd.s32 $0x1, s10;
	_ =	swait.ge [sflag:s9], $0x1400  }
0x2c: {  	p0 =	sne.s32 s10, s4;
	[sflag:s9] =	ssyncset.done $0x0  }
.Ltmp1:
0x2d: {  	[sflag:s9] =	ssyncadd.s32 $0xFFFFEC00;
	(pc) =	sbr.rel @p0 .LBB2_1-.Ltmp1, $4  }
0x2e: {  	[hbm4b:s11+s2] =	stream.linear.scatter [tilespmem:s8], [sflag:$0x2], $0x1400, $0x38;
	[tilespmem:$0x1450] =	vst v63  }
0x2f: {  	_ =	swait.ge [sflag:s7], $0x1400  }
0x30: {  	[sflag:s7] =	ssyncset.done $0x0  }
0x31: {  	[sflag:s7] =	ssyncadd.s32 $0xFFFFEC00  }
0x32: {  	_ =	sfence.sel $0x180000  }
0x33: {  	[bflag:$0x0] =	sbarrier.arrive $0xFFFF  }
0x34: {  	p0 =	sne.s32 s1, $0x0;
	_ =	strace $0x90000047  }
0x35: {  	s0 =	sadd.s32 @!p0 $0x100000, s0;
	[bflag:$0x2] =	sbarrier.arrive $0xFFFF  }
0x36: {  	[sflag:s0] =	ssyncadd.tile.s32 @!p0 $0x1;
	_ =	shalt  }
.Lfunc_end2:
_tile_overlayer_lowered:
.L_overlay_start_2:
0x37: {  	(tag) =	ssettag $0x2  }
0x38: {  	s0 =	rddreg [dreg:$0x0];
	s2 =	stileid.u32  }
0x39: {  	s1 =	rddreg [dreg:$0x1];
	p0 =	sne.s32 s2, $0x0  }
0x3a: {  	s3 =	rddreg [dreg:$0x2];
	[bflag:$0x3] =	sbarrier.arrive $0xFFFF;
	s2 =	simm.s32 @!p0 $0x1C02  }
0x3b: {  	[timem:s3], [sflag:s2] =	dma.local @!p0 [hbm:s0], s1  }
0x3c: {  	s0 =	simm.s32 @!p0 $0x2  }
0x3d: {  	_ =	swait.ge @!p0 [sflag:s0], s1  }
0x3e: {  	s1 =	ssub.s32 @!p0 $0x0, s1;
	[sflag:s0] =	ssyncset.done @!p0 $0x0  }
0x3f: {  	[sflag:s0] =	ssyncadd.s32 @!p0 s1  }
0x40: {  	[bflag:$0x3] =	sbarrier.arrive $0xFFFF  }
0x41: {  	_ =	shalt  }

</sc_bundles>
